<compile_context>
chip_gen: v7x
topology: tpu7x:2x2x1
jax: 0.10.2.dev20260603
libtpu: 0.0.44.dev20260713+nightly
codegen_flags: <defaults>
</compile_context>

<pallas_src>
import jax
import jax.numpy as jnp
from jax import lax
from jax.experimental import pallas as pl
from jax.experimental.pallas import tpu as pltpu
from jax.experimental.pallas import tpu_sc as plsc

VOCAB = 1000
EMB = 64
BAG = 200
PER_W = 16
HALF = PER_W // 2
NFULL = BAG // PER_W
TAIL = BAG - NFULL * PER_W
NW = NFULL + 1
NCHUNK = EMB // 16


def _body(syms_hbm, table_hbm, out_hbm, idx_v, rows_v, part_v,
          parts_v, shared, sem_a, sem_b):
    cid = lax.axis_index("c")
    sid = lax.axis_index("s")

    @pl.when((cid == 0) & (sid < NFULL))
    def _full():
        base = sid * PER_W
        pltpu.sync_copy(syms_hbm.at[pl.ds(base, HALF)], idx_v.at[pl.ds(0, HALF)])
        cp_a = pltpu.async_copy(
            table_hbm.at[idx_v.at[pl.ds(0, HALF)]],
            rows_v.at[pl.ds(0, HALF)], sem_a)
        pltpu.sync_copy(syms_hbm.at[pl.ds(base + HALF, HALF)],
                        idx_v.at[pl.ds(HALF, HALF)])
        cp_b = pltpu.async_copy(
            table_hbm.at[idx_v.at[pl.ds(HALF, HALF)]],
            rows_v.at[pl.ds(HALF, HALF)], sem_b)
        cp_a.wait()
        accs = [None] * NCHUNK
        for d in range(NCHUNK):
            acc = rows_v[0, pl.ds(d * 16, 16)]
            for r in range(1, HALF):
                acc = acc + rows_v[r, pl.ds(d * 16, 16)]
            accs[d] = acc
        cp_b.wait()
        for d in range(NCHUNK):
            acc = accs[d]
            for r in range(HALF, PER_W):
                acc = acc + rows_v[r, pl.ds(d * 16, 16)]
            part_v[pl.ds(d * 16, 16)] = acc
        pltpu.sync_copy(part_v, shared.at[sid])

    @pl.when((cid == 0) & (sid == NFULL))
    def _tail():
        pltpu.sync_copy(syms_hbm.at[pl.ds(NFULL * PER_W, TAIL)],
                        idx_v.at[pl.ds(0, TAIL)])
        pltpu.async_copy(
            table_hbm.at[idx_v.at[pl.ds(0, TAIL)]],
            rows_v.at[pl.ds(0, TAIL)], sem_a).wait()
        for d in range(NCHUNK):
            acc = rows_v[0, pl.ds(d * 16, 16)]
            for r in range(1, TAIL):
                acc = acc + rows_v[r, pl.ds(d * 16, 16)]
            part_v[pl.ds(d * 16, 16)] = acc
        pltpu.sync_copy(part_v, shared.at[NFULL])

    plsc.subcore_barrier()

    @pl.when((cid == 0) & (sid < NCHUNK))
    def _reduce():
        pltpu.sync_copy(shared.at[:, pl.ds(sid * 16, 16)], parts_v)
        tot = parts_v[0, :]
        for r in range(1, NW):
            tot = tot + parts_v[r, :]
        part_v[pl.ds(0, 16)] = tot
        pltpu.sync_copy(part_v.at[pl.ds(0, 16)], out_hbm.at[pl.ds(sid * 16, 16)])


@jax.jit
def _emb_sum(syms, table):
    mesh = plsc.VectorSubcoreMesh(
        core_axis_name="c", subcore_axis_name="s", num_cores=1)
    return pl.kernel(
        _body,
        out_type=jax.ShapeDtypeStruct((EMB,), jnp.float32),
        mesh=mesh,
        scratch_types=[
            pltpu.VMEM((PER_W,), jnp.int32),
            pltpu.VMEM((PER_W, EMB), jnp.float32),
            pltpu.VMEM((EMB,), jnp.float32),
            pltpu.VMEM((NW, 16), jnp.float32),
            pltpu.VMEM_SHARED((NW, EMB), jnp.float32),
            pltpu.SemaphoreType.DMA,
            pltpu.SemaphoreType.DMA,
        ],
        compiler_params=pltpu.CompilerParams(use_tc_tiling_on_sc=False),
    )(syms, table)


def kernel(syms, table):
    return _emb_sum(syms.astype(jnp.int32), table)

# --- scband reference (transcript-rebuilt; emitter-appended) ---
"""Pipeline reference for scband-embedding-sum-32169305047161 (READ-ONLY COPY).

The authoritative reference and input builder live on the scoring server;
editing this copy changes nothing except your own understanding.
"""

import jax, jax.numpy as jnp
import numpy as np

VOCAB = 1000
EMB_SIZE = 64
BAG_LEN = 200

def setup_inputs(seed: int = 0) -> dict:
    key = jax.random.key(seed)
    k1, k2 = jax.random.split(key)
    syms = jax.random.randint(k1, (BAG_LEN,), 0, VOCAB, dtype=jnp.int64 if jax.config.jax_enable_x64 else jnp.int32)
    # EmbeddingBag weight: nn.EmbeddingBag initializes from N(0, 1)
    table = jax.random.normal(k2, (VOCAB, EMB_SIZE), dtype=jnp.float32)
    return {"syms": syms, "table": table}

def reference(syms, table):
    # Encoding maps each known symbol to its row index; with alphabet = range(VOCAB)
    # the encoding is the identity and all indices are in-range (no KeyError branch).
    # EmbeddingBag(mode='sum') over a single bag: gather rows then sum over the bag.
    emb = jnp.take(table, syms, axis=0)  # [BAG_LEN, EMB_SIZE]
    return jnp.sum(emb, axis=0)          # [EMB_SIZE]

if __name__ == "__main__":
    import jax
    _d = setup_inputs()
    print(jax.jit(kernel)(*tuple(_d.values())))

</pallas_src>

<mosaic_0001>
#map = affine_map<(d0, d1) -> (0)>
#map1 = affine_map<(d0, d1) -> (0, 0)>
module attributes {stable_mosaic.version = 14 : i64} {
  func.func @_body(%arg0: i32, %arg1: i32, %arg2: memref<200xi32, #tpu.memory_space<hbm>>, %arg3: memref<1000x64xf32, #tpu.memory_space<hbm>>, %arg4: memref<64xf32, #tpu.memory_space<hbm>>, %arg5: memref<16xi32, #tpu.memory_space<vmem>>, %arg6: memref<16x64xf32, #tpu.memory_space<vmem>>, %arg7: memref<64xf32, #tpu.memory_space<vmem>>, %arg8: memref<13x16xf32, #tpu.memory_space<vmem>>, %arg9: memref<13x64xf32, #tpu.memory_space<vmem_shared>>, %arg10: memref<!tpu.dma_semaphore, #tpu.memory_space<semaphore_mem>>, %arg11: memref<!tpu.dma_semaphore, #tpu.memory_space<semaphore_mem>>) attributes {dimension_semantics = [#tpu.dimension_semantics<core_parallel>, #tpu.dimension_semantics<subcore_parallel>], iteration_bounds = array<i64: 1, 16>, scalar_prefetch = 0 : i64, scratch_operands = 7 : i64, tpu.core_type = #tpu.core_type<sc_vector_subcore>, window_params = [{transform_indices = #map}, {transform_indices = #map1}, {transform_indices = #map}]} {
    %eq3A = arith.constant 0 : i32
    %eq3A_0 = arith.cmpi eq, %arg0, %eq3A : i32
    %lt3A = arith.constant 12 : i32
    %lt3A_1 = arith.cmpi slt, %arg1, %lt3A : i32
    %and3A = arith.andi %eq3A_0, %lt3A_1 : i1
    %convert_element_type3A = arith.extui %and3A : i1 to i32
    %cond3A = arith.constant 0 : i32
    %cond3A_2 = arith.cmpi ne, %convert_element_type3A, %cond3A : i32
    scf.if %cond3A_2 {
      %mul3A = arith.constant 16 : i32
      %mul3A_19 = arith.muli %arg1, %mul3A : i32
      "tpu.region"() ({
        %run_scoped3A = tpu.sem_alloc : memref<!tpu.dma_semaphore, #tpu.memory_space<semaphore_mem>>
        %dma_start3A_445 = arith.constant 0 : i32
        %dma_start3A_446 = tpu.memref_slice %arg5[%dma_start3A_445] : memref<16xi32, #tpu.memory_space<vmem>> -> memref<8xi32, #tpu.memory_space<vmem>>
        %dma_start3A_447 = tpu.memref_slice %arg2[%mul3A_19] : memref<200xi32, #tpu.memory_space<hbm>> -> memref<8xi32, #tpu.memory_space<hbm>>
        %dma_start3A_448 = arith.constant 0 : i32
        %dma_start3A_449 = tpu.memref_slice %arg5[%dma_start3A_448] : memref<16xi32, #tpu.memory_space<vmem>> -> memref<8xi32, #tpu.memory_space<vmem>>
        %dma_start3A_450 = tpu.memref_slice %arg2[%mul3A_19] : memref<200xi32, #tpu.memory_space<hbm>> -> memref<8xi32, #tpu.memory_space<hbm>>
        tpu.enqueue_dma source(%dma_start3A_450 : memref<8xi32, #tpu.memory_space<hbm>>) target(%dma_start3A_449 : memref<8xi32, #tpu.memory_space<vmem>>) target_semaphore(%run_scoped3A : memref<!tpu.dma_semaphore, #tpu.memory_space<semaphore_mem>>)
        %dma_wait3A_451 = arith.constant 0 : i32
        %dma_wait3A_452 = tpu.memref_slice %arg5[%dma_wait3A_451] : memref<16xi32, #tpu.memory_space<vmem>> -> memref<8xi32, #tpu.memory_space<vmem>>
        %dma_wait3A_453 = tpu.memref_slice %arg2[%mul3A_19] : memref<200xi32, #tpu.memory_space<hbm>> -> memref<8xi32, #tpu.memory_space<hbm>>
        %dma_wait3A_454 = arith.constant 0 : i32
        %dma_wait3A_455 = tpu.memref_slice %arg5[%dma_wait3A_454] : memref<16xi32, #tpu.memory_space<vmem>> -> memref<8xi32, #tpu.memory_space<vmem>>
        %dma_wait3A_456 = tpu.memref_slice %arg2[%mul3A_19] : memref<200xi32, #tpu.memory_space<hbm>> -> memref<8xi32, #tpu.memory_space<hbm>>
        tpu.wait_dma2 semaphore(%run_scoped3A : memref<!tpu.dma_semaphore, #tpu.memory_space<semaphore_mem>>) src(%dma_wait3A_456 : memref<8xi32, #tpu.memory_space<hbm>>) dst(%dma_wait3A_455 : memref<8xi32, #tpu.memory_space<vmem>>)
        tpu.yield
      }) : () -> ()
      %dma_start3A = arith.constant 0 : i32
      %dma_start3A_20 = arith.constant 0 : i32
      %dma_start3A_21 = tpu.memref_slice %arg6[%dma_start3A, %dma_start3A_20] : memref<16x64xf32, #tpu.memory_space<vmem>> -> memref<8x64xf32, #tpu.memory_space<vmem>>
      %dma_start3A_22 = arith.constant 0 : i32
      %dma_start3A_23 = tpu.memref_slice %arg5[%dma_start3A_22] : memref<16xi32, #tpu.memory_space<vmem>> -> memref<8xi32, #tpu.memory_space<vmem>>
      %dma_start3A_24 = arith.constant 0 : i32
      %dma_start3A_25 = arith.constant 0 : i32
      %dma_start3A_26 = tpu.memref_slice %arg3[%dma_start3A_24, %dma_start3A_25] : memref<1000x64xf32, #tpu.memory_space<hbm>> -> memref<1000x64xf32, #tpu.memory_space<hbm>>
      tpu.enqueue_indirect_dma source(%dma_start3A_26 : memref<1000x64xf32, #tpu.memory_space<hbm>>) target(%dma_start3A_21 : memref<8x64xf32, #tpu.memory_space<vmem>>) offsets(%dma_start3A_23 : memref<8xi32, #tpu.memory_space<vmem>>) semaphore(%arg10 : memref<!tpu.dma_semaphore, #tpu.memory_space<semaphore_mem>>)
      %add3A = arith.constant 8 : i32
      %add3A_27 = arith.addi %mul3A_19, %add3A : i32
      "tpu.region"() ({
        %run_scoped3A = tpu.sem_alloc : memref<!tpu.dma_semaphore, #tpu.memory_space<semaphore_mem>>
        %dma_start3A_445 = arith.constant 8 : i32
        %dma_start3A_446 = tpu.memref_slice %arg5[%dma_start3A_445] : memref<16xi32, #tpu.memory_space<vmem>> -> memref<8xi32, #tpu.memory_space<vmem>>
        %dma_start3A_447 = tpu.memref_slice %arg2[%add3A_27] : memref<200xi32, #tpu.memory_space<hbm>> -> memref<8xi32, #tpu.memory_space<hbm>>
        %dma_start3A_448 = arith.constant 8 : i32
        %dma_start3A_449 = tpu.memref_slice %arg5[%dma_start3A_448] : memref<16xi32, #tpu.memory_space<vmem>> -> memref<8xi32, #tpu.memory_space<vmem>>
        %dma_start3A_450 = tpu.memref_slice %arg2[%add3A_27] : memref<200xi32, #tpu.memory_space<hbm>> -> memref<8xi32, #tpu.memory_space<hbm>>
        tpu.enqueue_dma source(%dma_start3A_450 : memref<8xi32, #tpu.memory_space<hbm>>) target(%dma_start3A_449 : memref<8xi32, #tpu.memory_space<vmem>>) target_semaphore(%run_scoped3A : memref<!tpu.dma_semaphore, #tpu.memory_space<semaphore_mem>>)
        %dma_wait3A_451 = arith.constant 8 : i32
        %dma_wait3A_452 = tpu.memref_slice %arg5[%dma_wait3A_451] : memref<16xi32, #tpu.memory_space<vmem>> -> memref<8xi32, #tpu.memory_space<vmem>>
        %dma_wait3A_453 = tpu.memref_slice %arg2[%add3A_27] : memref<200xi32, #tpu.memory_space<hbm>> -> memref<8xi32, #tpu.memory_space<hbm>>
        %dma_wait3A_454 = arith.constant 8 : i32
        %dma_wait3A_455 = tpu.memref_slice %arg5[%dma_wait3A_454] : memref<16xi32, #tpu.memory_space<vmem>> -> memref<8xi32, #tpu.memory_space<vmem>>
        %dma_wait3A_456 = tpu.memref_slice %arg2[%add3A_27] : memref<200xi32, #tpu.memory_space<hbm>> -> memref<8xi32, #tpu.memory_space<hbm>>
        tpu.wait_dma2 semaphore(%run_scoped3A : memref<!tpu.dma_semaphore, #tpu.memory_space<semaphore_mem>>) src(%dma_wait3A_456 : memref<8xi32, #tpu.memory_space<hbm>>) dst(%dma_wait3A_455 : memref<8xi32, #tpu.memory_space<vmem>>)
        tpu.yield
      }) : () -> ()
      %dma_start3A_28 = arith.constant 8 : i32
      %dma_start3A_29 = arith.constant 0 : i32
      %dma_start3A_30 = tpu.memref_slice %arg6[%dma_start3A_28, %dma_start3A_29] : memref<16x64xf32, #tpu.memory_space<vmem>> -> memref<8x64xf32, #tpu.memory_space<vmem>>
      %dma_start3A_31 = arith.constant 8 : i32
      %dma_start3A_32 = tpu.memref_slice %arg5[%dma_start3A_31] : memref<16xi32, #tpu.memory_space<vmem>> -> memref<8xi32, #tpu.memory_space<vmem>>
      %dma_start3A_33 = arith.constant 0 : i32
      %dma_start3A_34 = arith.constant 0 : i32
      %dma_start3A_35 = tpu.memref_slice %arg3[%dma_start3A_33, %dma_start3A_34] : memref<1000x64xf32, #tpu.memory_space<hbm>> -> memref<1000x64xf32, #tpu.memory_space<hbm>>
      tpu.enqueue_indirect_dma source(%dma_start3A_35 : memref<1000x64xf32, #tpu.memory_space<hbm>>) target(%dma_start3A_30 : memref<8x64xf32, #tpu.memory_space<vmem>>) offsets(%dma_start3A_32 : memref<8xi32, #tpu.memory_space<vmem>>) semaphore(%arg11 : memref<!tpu.dma_semaphore, #tpu.memory_space<semaphore_mem>>)
      %dma_wait3A = arith.constant 0 : i32
      %dma_wait3A_36 = arith.constant 0 : i32
      %dma_wait3A_37 = tpu.memref_slice %arg6[%dma_wait3A, %dma_wait3A_36] : memref<16x64xf32, #tpu.memory_space<vmem>> -> memref<8x64xf32, #tpu.memory_space<vmem>>
      %dma_wait3A_38 = arith.constant 0 : i32
      %dma_wait3A_39 = tpu.memref_slice %arg5[%dma_wait3A_38] : memref<16xi32, #tpu.memory_space<vmem>> -> memref<8xi32, #tpu.memory_space<vmem>>
      %dma_wait3A_40 = arith.constant 0 : i32
      %dma_wait3A_41 = arith.constant 0 : i32
      %dma_wait3A_42 = tpu.memref_slice %arg3[%dma_wait3A_40, %dma_wait3A_41] : memref<1000x64xf32, #tpu.memory_space<hbm>> -> memref<1000x64xf32, #tpu.memory_space<hbm>>
      tpu.wait_indirect_dma semaphore(%arg10 : memref<!tpu.dma_semaphore, #tpu.memory_space<semaphore_mem>>) src(%dma_wait3A_42 : memref<1000x64xf32, #tpu.memory_space<hbm>>) dst(%dma_wait3A_37 : memref<8x64xf32, #tpu.memory_space<vmem>>)
      %get3A = arith.constant 0 : i32
      %get3A_43 = arith.index_cast %get3A : i32 to index
      %get3A_44 = arith.constant 0 : index
      %get3A_45 = tpu.vector_load %arg6[%get3A_43, %get3A_44] {strides = array<i32>} : memref<16x64xf32, #tpu.memory_space<vmem>>, vector<1x16xf32>,
      %get3A_46 = vector.shape_cast %get3A_45 : vector<1x16xf32> to vector<16xf32>
      %get3A_47 = arith.constant 1 : i32
      %get3A_48 = arith.index_cast %get3A_47 : i32 to index
      %get3A_49 = arith.constant 0 : index
      %get3A_50 = tpu.vector_load %arg6[%get3A_48, %get3A_49] {strides = array<i32>} : memref<16x64xf32, #tpu.memory_space<vmem>>, vector<1x16xf32>,
      %get3A_51 = vector.shape_cast %get3A_50 : vector<1x16xf32> to vector<16xf32>
      %add3A_52 = arith.addf %get3A_46, %get3A_51 : vector<16xf32>
      %get3A_53 = arith.constant 2 : i32
      %get3A_54 = arith.index_cast %get3A_53 : i32 to index
      %get3A_55 = arith.constant 0 : index
      %get3A_56 = tpu.vector_load %arg6[%get3A_54, %get3A_55] {strides = array<i32>} : memref<16x64xf32, #tpu.memory_space<vmem>>, vector<1x16xf32>,
      %get3A_57 = vector.shape_cast %get3A_56 : vector<1x16xf32> to vector<16xf32>
      %add3A_58 = arith.addf %add3A_52, %get3A_57 : vector<16xf32>
      %get3A_59 = arith.constant 3 : i32
      %get3A_60 = arith.index_cast %get3A_59 : i32 to index
      %get3A_61 = arith.constant 0 : index
      %get3A_62 = tpu.vector_load %arg6[%get3A_60, %get3A_61] {strides = array<i32>} : memref<16x64xf32, #tpu.memory_space<vmem>>, vector<1x16xf32>,
      %get3A_63 = vector.shape_cast %get3A_62 : vector<1x16xf32> to vector<16xf32>
      %add3A_64 = arith.addf %add3A_58, %get3A_63 : vector<16xf32>
      %get3A_65 = arith.constant 4 : i32
      %get3A_66 = arith.index_cast %get3A_65 : i32 to index
      %get3A_67 = arith.constant 0 : index
      %get3A_68 = tpu.vector_load %arg6[%get3A_66, %get3A_67] {strides = array<i32>} : memref<16x64xf32, #tpu.memory_space<vmem>>, vector<1x16xf32>,
      %get3A_69 = vector.shape_cast %get3A_68 : vector<1x16xf32> to vector<16xf32>
      %add3A_70 = arith.addf %add3A_64, %get3A_69 : vector<16xf32>
      %get3A_71 = arith.constant 5 : i32
      %get3A_72 = arith.index_cast %get3A_71 : i32 to index
      %get3A_73 = arith.constant 0 : index
      %get3A_74 = tpu.vector_load %arg6[%get3A_72, %get3A_73] {strides = array<i32>} : memref<16x64xf32, #tpu.memory_space<vmem>>, vector<1x16xf32>,
      %get3A_75 = vector.shape_cast %get3A_74 : vector<1x16xf32> to vector<16xf32>
      %add3A_76 = arith.addf %add3A_70, %get3A_75 : vector<16xf32>
      %get3A_77 = arith.constant 6 : i32
      %get3A_78 = arith.index_cast %get3A_77 : i32 to index
      %get3A_79 = arith.constant 0 : index
      %get3A_80 = tpu.vector_load %arg6[%get3A_78, %get3A_79] {strides = array<i32>} : memref<16x64xf32, #tpu.memory_space<vmem>>, vector<1x16xf32>,
      %get3A_81 = vector.shape_cast %get3A_80 : vector<1x16xf32> to vector<16xf32>
      %add3A_82 = arith.addf %add3A_76, %get3A_81 : vector<16xf32>
      %get3A_83 = arith.constant 7 : i32
      %get3A_84 = arith.index_cast %get3A_83 : i32 to index
      %get3A_85 = arith.constant 0 : index
      %get3A_86 = tpu.vector_load %arg6[%get3A_84, %get3A_85] {strides = array<i32>} : memref<16x64xf32, #tpu.memory_space<vmem>>, vector<1x16xf32>,
      %get3A_87 = vector.shape_cast %get3A_86 : vector<1x16xf32> to vector<16xf32>
      %add3A_88 = arith.addf %add3A_82, %get3A_87 : vector<16xf32>
      %get3A_89 = arith.constant 0 : i32
      %get3A_90 = arith.index_cast %get3A_89 : i32 to index
      %get3A_91 = arith.constant 16 : index
      %get3A_92 = tpu.vector_load %arg6[%get3A_90, %get3A_91] {strides = array<i32>} : memref<16x64xf32, #tpu.memory_space<vmem>>, vector<1x16xf32>,
      %get3A_93 = vector.shape_cast %get3A_92 : vector<1x16xf32> to vector<16xf32>
      %get3A_94 = arith.constant 1 : i32
      %get3A_95 = arith.index_cast %get3A_94 : i32 to index
      %get3A_96 = arith.constant 16 : index
      %get3A_97 = tpu.vector_load %arg6[%get3A_95, %get3A_96] {strides = array<i32>} : memref<16x64xf32, #tpu.memory_space<vmem>>, vector<1x16xf32>,
      %get3A_98 = vector.shape_cast %get3A_97 : vector<1x16xf32> to vector<16xf32>
      %add3A_99 = arith.addf %get3A_93, %get3A_98 : vector<16xf32>
      %get3A_100 = arith.constant 2 : i32
      %get3A_101 = arith.index_cast %get3A_100 : i32 to index
      %get3A_102 = arith.constant 16 : index
      %get3A_103 = tpu.vector_load %arg6[%get3A_101, %get3A_102] {strides = array<i32>} : memref<16x64xf32, #tpu.memory_space<vmem>>, vector<1x16xf32>,
      %get3A_104 = vector.shape_cast %get3A_103 : vector<1x16xf32> to vector<16xf32>
      %add3A_105 = arith.addf %add3A_99, %get3A_104 : vector<16xf32>
      %get3A_106 = arith.constant 3 : i32
      %get3A_107 = arith.index_cast %get3A_106 : i32 to index
      %get3A_108 = arith.constant 16 : index
      %get3A_109 = tpu.vector_load %arg6[%get3A_107, %get3A_108] {strides = array<i32>} : memref<16x64xf32, #tpu.memory_space<vmem>>, vector<1x16xf32>,
      %get3A_110 = vector.shape_cast %get3A_109 : vector<1x16xf32> to vector<16xf32>
      %add3A_111 = arith.addf %add3A_105, %get3A_110 : vector<16xf32>
      %get3A_112 = arith.constant 4 : i32
      %get3A_113 = arith.index_cast %get3A_112 : i32 to index
      %get3A_114 = arith.constant 16 : index
      %get3A_115 = tpu.vector_load %arg6[%get3A_113, %get3A_114] {strides = array<i32>} : memref<16x64xf32, #tpu.memory_space<vmem>>, vector<1x16xf32>,
      %get3A_116 = vector.shape_cast %get3A_115 : vector<1x16xf32> to vector<16xf32>
      %add3A_117 = arith.addf %add3A_111, %get3A_116 : vector<16xf32>
      %get3A_118 = arith.constant 5 : i32
      %get3A_119 = arith.index_cast %get3A_118 : i32 to index
      %get3A_120 = arith.constant 16 : index
      %get3A_121 = tpu.vector_load %arg6[%get3A_119, %get3A_120] {strides = array<i32>} : memref<16x64xf32, #tpu.memory_space<vmem>>, vector<1x16xf32>,
      %get3A_122 = vector.shape_cast %get3A_121 : vector<1x16xf32> to vector<16xf32>
      %add3A_123 = arith.addf %add3A_117, %get3A_122 : vector<16xf32>
      %get3A_124 = arith.constant 6 : i32
      %get3A_125 = arith.index_cast %get3A_124 : i32 to index
      %get3A_126 = arith.constant 16 : index
      %get3A_127 = tpu.vector_load %arg6[%get3A_125, %get3A_126] {strides = array<i32>} : memref<16x64xf32, #tpu.memory_space<vmem>>, vector<1x16xf32>,
      %get3A_128 = vector.shape_cast %get3A_127 : vector<1x16xf32> to vector<16xf32>
      %add3A_129 = arith.addf %add3A_123, %get3A_128 : vector<16xf32>
      %get3A_130 = arith.constant 7 : i32
      %get3A_131 = arith.index_cast %get3A_130 : i32 to index
      %get3A_132 = arith.constant 16 : index
      %get3A_133 = tpu.vector_load %arg6[%get3A_131, %get3A_132] {strides = array<i32>} : memref<16x64xf32, #tpu.memory_space<vmem>>, vector<1x16xf32>,
      %get3A_134 = vector.shape_cast %get3A_133 : vector<1x16xf32> to vector<16xf32>
      %add3A_135 = arith.addf %add3A_129, %get3A_134 : vector<16xf32>
      %get3A_136 = arith.constant 0 : i32
      %get3A_137 = arith.index_cast %get3A_136 : i32 to index
      %get3A_138 = arith.constant 32 : index
      %get3A_139 = tpu.vector_load %arg6[%get3A_137, %get3A_138] {strides = array<i32>} : memref<16x64xf32, #tpu.memory_space<vmem>>, vector<1x16xf32>,
      %get3A_140 = vector.shape_cast %get3A_139 : vector<1x16xf32> to vector<16xf32>
      %get3A_141 = arith.constant 1 : i32
      %get3A_142 = arith.index_cast %get3A_141 : i32 to index
      %get3A_143 = arith.constant 32 : index
      %get3A_144 = tpu.vector_load %arg6[%get3A_142, %get3A_143] {strides = array<i32>} : memref<16x64xf32, #tpu.memory_space<vmem>>, vector<1x16xf32>,
      %get3A_145 = vector.shape_cast %get3A_144 : vector<1x16xf32> to vector<16xf32>
      %add3A_146 = arith.addf %get3A_140, %get3A_145 : vector<16xf32>
      %get3A_147 = arith.constant 2 : i32
      %get3A_148 = arith.index_cast %get3A_147 : i32 to index
      %get3A_149 = arith.constant 32 : index
      %get3A_150 = tpu.vector_load %arg6[%get3A_148, %get3A_149] {strides = array<i32>} : memref<16x64xf32, #tpu.memory_space<vmem>>, vector<1x16xf32>,
      %get3A_151 = vector.shape_cast %get3A_150 : vector<1x16xf32> to vector<16xf32>
      %add3A_152 = arith.addf %add3A_146, %get3A_151 : vector<16xf32>
      %get3A_153 = arith.constant 3 : i32
      %get3A_154 = arith.index_cast %get3A_153 : i32 to index
      %get3A_155 = arith.constant 32 : index
      %get3A_156 = tpu.vector_load %arg6[%get3A_154, %get3A_155] {strides = array<i32>} : memref<16x64xf32, #tpu.memory_space<vmem>>, vector<1x16xf32>,
      %get3A_157 = vector.shape_cast %get3A_156 : vector<1x16xf32> to vector<16xf32>
      %add3A_158 = arith.addf %add3A_152, %get3A_157 : vector<16xf32>
      %get3A_159 = arith.constant 4 : i32
      %get3A_160 = arith.index_cast %get3A_159 : i32 to index
      %get3A_161 = arith.constant 32 : index
      %get3A_162 = tpu.vector_load %arg6[%get3A_160, %get3A_161] {strides = array<i32>} : memref<16x64xf32, #tpu.memory_space<vmem>>, vector<1x16xf32>,
      %get3A_163 = vector.shape_cast %get3A_162 : vector<1x16xf32> to vector<16xf32>
      %add3A_164 = arith.addf %add3A_158, %get3A_163 : vector<16xf32>
      %get3A_165 = arith.constant 5 : i32
      %get3A_166 = arith.index_cast %get3A_165 : i32 to index
      %get3A_167 = arith.constant 32 : index
      %get3A_168 = tpu.vector_load %arg6[%get3A_166, %get3A_167] {strides = array<i32>} : memref<16x64xf32, #tpu.memory_space<vmem>>, vector<1x16xf32>,
      %get3A_169 = vector.shape_cast %get3A_168 : vector<1x16xf32> to vector<16xf32>
      %add3A_170 = arith.addf %add3A_164, %get3A_169 : vector<16xf32>
      %get3A_171 = arith.constant 6 : i32
      %get3A_172 = arith.index_cast %get3A_171 : i32 to index
      %get3A_173 = arith.constant 32 : index
      %get3A_174 = tpu.vector_load %arg6[%get3A_172, %get3A_173] {strides = array<i32>} : memref<16x64xf32, #tpu.memory_space<vmem>>, vector<1x16xf32>,
      %get3A_175 = vector.shape_cast %get3A_174 : vector<1x16xf32> to vector<16xf32>
      %add3A_176 = arith.addf %add3A_170, %get3A_175 : vector<16xf32>
      %get3A_177 = arith.constant 7 : i32
      %get3A_178 = arith.index_cast %get3A_177 : i32 to index
      %get3A_179 = arith.constant 32 : index
      %get3A_180 = tpu.vector_load %arg6[%get3A_178, %get3A_179] {strides = array<i32>} : memref<16x64xf32, #tpu.memory_space<vmem>>, vector<1x16xf32>,
      %get3A_181 = vector.shape_cast %get3A_180 : vector<1x16xf32> to vector<16xf32>
      %add3A_182 = arith.addf %add3A_176, %get3A_181 : vector<16xf32>
      %get3A_183 = arith.constant 0 : i32
      %get3A_184 = arith.index_cast %get3A_183 : i32 to index
      %get3A_185 = arith.constant 48 : index
      %get3A_186 = tpu.vector_load %arg6[%get3A_184, %get3A_185] {strides = array<i32>} : memref<16x64xf32, #tpu.memory_space<vmem>>, vector<1x16xf32>,
      %get3A_187 = vector.shape_cast %get3A_186 : vector<1x16xf32> to vector<16xf32>
      %get3A_188 = arith.constant 1 : i32
      %get3A_189 = arith.index_cast %get3A_188 : i32 to index
      %get3A_190 = arith.constant 48 : index
      %get3A_191 = tpu.vector_load %arg6[%get3A_189, %get3A_190] {strides = array<i32>} : memref<16x64xf32, #tpu.memory_space<vmem>>, vector<1x16xf32>,
      %get3A_192 = vector.shape_cast %get3A_191 : vector<1x16xf32> to vector<16xf32>
      %add3A_193 = arith.addf %get3A_187, %get3A_192 : vector<16xf32>
      %get3A_194 = arith.constant 2 : i32
      %get3A_195 = arith.index_cast %get3A_194 : i32 to index
      %get3A_196 = arith.constant 48 : index
      %get3A_197 = tpu.vector_load %arg6[%get3A_195, %get3A_196] {strides = array<i32>} : memref<16x64xf32, #tpu.memory_space<vmem>>, vector<1x16xf32>,
      %get3A_198 = vector.shape_cast %get3A_197 : vector<1x16xf32> to vector<16xf32>
      %add3A_199 = arith.addf %add3A_193, %get3A_198 : vector<16xf32>
      %get3A_200 = arith.constant 3 : i32
      %get3A_201 = arith.index_cast %get3A_200 : i32 to index
      %get3A_202 = arith.constant 48 : index
      %get3A_203 = tpu.vector_load %arg6[%get3A_201, %get3A_202] {strides = array<i32>} : memref<16x64xf32, #tpu.memory_space<vmem>>, vector<1x16xf32>,
      %get3A_204 = vector.shape_cast %get3A_203 : vector<1x16xf32> to vector<16xf32>
      %add3A_205 = arith.addf %add3A_199, %get3A_204 : vector<16xf32>
      %get3A_206 = arith.constant 4 : i32
      %get3A_207 = arith.index_cast %get3A_206 : i32 to index
      %get3A_208 = arith.constant 48 : index
      %get3A_209 = tpu.vector_load %arg6[%get3A_207, %get3A_208] {strides = array<i32>} : memref<16x64xf32, #tpu.memory_space<vmem>>, vector<1x16xf32>,
      %get3A_210 = vector.shape_cast %get3A_209 : vector<1x16xf32> to vector<16xf32>
      %add3A_211 = arith.addf %add3A_205, %get3A_210 : vector<16xf32>
      %get3A_212 = arith.constant 5 : i32
      %get3A_213 = arith.index_cast %get3A_212 : i32 to index
      %get3A_214 = arith.constant 48 : index
      %get3A_215 = tpu.vector_load %arg6[%get3A_213, %get3A_214] {strides = array<i32>} : memref<16x64xf32, #tpu.memory_space<vmem>>, vector<1x16xf32>,
      %get3A_216 = vector.shape_cast %get3A_215 : vector<1x16xf32> to vector<16xf32>
      %add3A_217 = arith.addf %add3A_211, %get3A_216 : vector<16xf32>
      %get3A_218 = arith.constant 6 : i32
      %get3A_219 = arith.index_cast %get3A_218 : i32 to index
      %get3A_220 = arith.constant 48 : index
      %get3A_221 = tpu.vector_load %arg6[%get3A_219, %get3A_220] {strides = array<i32>} : memref<16x64xf32, #tpu.memory_space<vmem>>, vector<1x16xf32>,
      %get3A_222 = vector.shape_cast %get3A_221 : vector<1x16xf32> to vector<16xf32>
      %add3A_223 = arith.addf %add3A_217, %get3A_222 : vector<16xf32>
      %get3A_224 = arith.constant 7 : i32
      %get3A_225 = arith.index_cast %get3A_224 : i32 to index
      %get3A_226 = arith.constant 48 : index
      %get3A_227 = tpu.vector_load %arg6[%get3A_225, %get3A_226] {strides = array<i32>} : memref<16x64xf32, #tpu.memory_space<vmem>>, vector<1x16xf32>,
      %get3A_228 = vector.shape_cast %get3A_227 : vector<1x16xf32> to vector<16xf32>
      %add3A_229 = arith.addf %add3A_223, %get3A_228 : vector<16xf32>
      %dma_wait3A_230 = arith.constant 8 : i32
      %dma_wait3A_231 = arith.constant 0 : i32
      %dma_wait3A_232 = tpu.memref_slice %arg6[%dma_wait3A_230, %dma_wait3A_231] : memref<16x64xf32, #tpu.memory_space<vmem>> -> memref<8x64xf32, #tpu.memory_space<vmem>>
      %dma_wait3A_233 = arith.constant 8 : i32
      %dma_wait3A_234 = tpu.memref_slice %arg5[%dma_wait3A_233] : memref<16xi32, #tpu.memory_space<vmem>> -> memref<8xi32, #tpu.memory_space<vmem>>
      %dma_wait3A_235 = arith.constant 0 : i32
      %dma_wait3A_236 = arith.constant 0 : i32
      %dma_wait3A_237 = tpu.memref_slice %arg3[%dma_wait3A_235, %dma_wait3A_236] : memref<1000x64xf32, #tpu.memory_space<hbm>> -> memref<1000x64xf32, #tpu.memory_space<hbm>>
      tpu.wait_indirect_dma semaphore(%arg11 : memref<!tpu.dma_semaphore, #tpu.memory_space<semaphore_mem>>) src(%dma_wait3A_237 : memref<1000x64xf32, #tpu.memory_space<hbm>>) dst(%dma_wait3A_232 : memref<8x64xf32, #tpu.memory_space<vmem>>)
      %get3A_238 = arith.constant 8 : i32
      %get3A_239 = arith.index_cast %get3A_238 : i32 to index
      %get3A_240 = arith.constant 0 : index
      %get3A_241 = tpu.vector_load %arg6[%get3A_239, %get3A_240] {strides = array<i32>} : memref<16x64xf32, #tpu.memory_space<vmem>>, vector<1x16xf32>,
      %get3A_242 = vector.shape_cast %get3A_241 : vector<1x16xf32> to vector<16xf32>
      %add3A_243 = arith.addf %add3A_88, %get3A_242 : vector<16xf32>
      %get3A_244 = arith.constant 9 : i32
      %get3A_245 = arith.index_cast %get3A_244 : i32 to index
      %get3A_246 = arith.constant 0 : index
      %get3A_247 = tpu.vector_load %arg6[%get3A_245, %get3A_246] {strides = array<i32>} : memref<16x64xf32, #tpu.memory_space<vmem>>, vector<1x16xf32>,
      %get3A_248 = vector.shape_cast %get3A_247 : vector<1x16xf32> to vector<16xf32>
      %add3A_249 = arith.addf %add3A_243, %get3A_248 : vector<16xf32>
      %get3A_250 = arith.constant 10 : i32
      %get3A_251 = arith.index_cast %get3A_250 : i32 to index
      %get3A_252 = arith.constant 0 : index
      %get3A_253 = tpu.vector_load %arg6[%get3A_251, %get3A_252] {strides = array<i32>} : memref<16x64xf32, #tpu.memory_space<vmem>>, vector<1x16xf32>,
      %get3A_254 = vector.shape_cast %get3A_253 : vector<1x16xf32> to vector<16xf32>
      %add3A_255 = arith.addf %add3A_249, %get3A_254 : vector<16xf32>
      %get3A_256 = arith.constant 11 : i32
      %get3A_257 = arith.index_cast %get3A_256 : i32 to index
      %get3A_258 = arith.constant 0 : index
      %get3A_259 = tpu.vector_load %arg6[%get3A_257, %get3A_258] {strides = array<i32>} : memref<16x64xf32, #tpu.memory_space<vmem>>, vector<1x16xf32>,
      %get3A_260 = vector.shape_cast %get3A_259 : vector<1x16xf32> to vector<16xf32>
      %add3A_261 = arith.addf %add3A_255, %get3A_260 : vector<16xf32>
      %get3A_262 = arith.constant 12 : i32
      %get3A_263 = arith.index_cast %get3A_262 : i32 to index
      %get3A_264 = arith.constant 0 : index
      %get3A_265 = tpu.vector_load %arg6[%get3A_263, %get3A_264] {strides = array<i32>} : memref<16x64xf32, #tpu.memory_space<vmem>>, vector<1x16xf32>,
      %get3A_266 = vector.shape_cast %get3A_265 : vector<1x16xf32> to vector<16xf32>
      %add3A_267 = arith.addf %add3A_261, %get3A_266 : vector<16xf32>
      %get3A_268 = arith.constant 13 : i32
      %get3A_269 = arith.index_cast %get3A_268 : i32 to index
      %get3A_270 = arith.constant 0 : index
      %get3A_271 = tpu.vector_load %arg6[%get3A_269, %get3A_270] {strides = array<i32>} : memref<16x64xf32, #tpu.memory_space<vmem>>, vector<1x16xf32>,
      %get3A_272 = vector.shape_cast %get3A_271 : vector<1x16xf32> to vector<16xf32>
      %add3A_273 = arith.addf %add3A_267, %get3A_272 : vector<16xf32>
      %get3A_274 = arith.constant 14 : i32
      %get3A_275 = arith.index_cast %get3A_274 : i32 to index
      %get3A_276 = arith.constant 0 : index
      %get3A_277 = tpu.vector_load %arg6[%get3A_275, %get3A_276] {strides = array<i32>} : memref<16x64xf32, #tpu.memory_space<vmem>>, vector<1x16xf32>,
      %get3A_278 = vector.shape_cast %get3A_277 : vector<1x16xf32> to vector<16xf32>
      %add3A_279 = arith.addf %add3A_273, %get3A_278 : vector<16xf32>
      %get3A_280 = arith.constant 15 : i32
      %get3A_281 = arith.index_cast %get3A_280 : i32 to index
      %get3A_282 = arith.constant 0 : index
      %get3A_283 = tpu.vector_load %arg6[%get3A_281, %get3A_282] {strides = array<i32>} : memref<16x64xf32, #tpu.memory_space<vmem>>, vector<1x16xf32>,
      %get3A_284 = vector.shape_cast %get3A_283 : vector<1x16xf32> to vector<16xf32>
      %add3A_285 = arith.addf %add3A_279, %get3A_284 : vector<16xf32>
      %swap3A = arith.constant 0 : index
      %swap3A_286 = tpu.vector_load %arg7[%swap3A] {strides = array<i32>} : memref<64xf32, #tpu.memory_space<vmem>>, vector<16xf32>,
      %swap3A_287 = vector.shape_cast %swap3A_286 : vector<16xf32> to vector<16xf32>
      %swap3A_288 = vector.shape_cast %add3A_285 : vector<16xf32> to vector<16xf32>
      tpu.vector_store %arg7[%swap3A], %swap3A_288 {strides = array<i32>} : memref<64xf32, #tpu.memory_space<vmem>>, vector<16xf32>,
      %get3A_289 = arith.constant 8 : i32
      %get3A_290 = arith.index_cast %get3A_289 : i32 to index
      %get3A_291 = arith.constant 16 : index
      %get3A_292 = tpu.vector_load %arg6[%get3A_290, %get3A_291] {strides = array<i32>} : memref<16x64xf32, #tpu.memory_space<vmem>>, vector<1x16xf32>,
      %get3A_293 = vector.shape_cast %get3A_292 : vector<1x16xf32> to vector<16xf32>
      %add3A_294 = arith.addf %add3A_135, %get3A_293 : vector<16xf32>
      %get3A_295 = arith.constant 9 : i32
      %get3A_296 = arith.index_cast %get3A_295 : i32 to index
      %get3A_297 = arith.constant 16 : index
      %get3A_298 = tpu.vector_load %arg6[%get3A_296, %get3A_297] {strides = array<i32>} : memref<16x64xf32, #tpu.memory_space<vmem>>, vector<1x16xf32>,
      %get3A_299 = vector.shape_cast %get3A_298 : vector<1x16xf32> to vector<16xf32>
      %add3A_300 = arith.addf %add3A_294, %get3A_299 : vector<16xf32>
      %get3A_301 = arith.constant 10 : i32
      %get3A_302 = arith.index_cast %get3A_301 : i32 to index
      %get3A_303 = arith.constant 16 : index
      %get3A_304 = tpu.vector_load %arg6[%get3A_302, %get3A_303] {strides = array<i32>} : memref<16x64xf32, #tpu.memory_space<vmem>>, vector<1x16xf32>,
      %get3A_305 = vector.shape_cast %get3A_304 : vector<1x16xf32> to vector<16xf32>
      %add3A_306 = arith.addf %add3A_300, %get3A_305 : vector<16xf32>
      %get3A_307 = arith.constant 11 : i32
      %get3A_308 = arith.index_cast %get3A_307 : i32 to index
      %get3A_309 = arith.constant 16 : index
      %get3A_310 = tpu.vector_load %arg6[%get3A_308, %get3A_309] {strides = array<i32>} : memref<16x64xf32, #tpu.memory_space<vmem>>, vector<1x16xf32>,
      %get3A_311 = vector.shape_cast %get3A_310 : vector<1x16xf32> to vector<16xf32>
      %add3A_312 = arith.addf %add3A_306, %get3A_311 : vector<16xf32>
      %get3A_313 = arith.constant 12 : i32
      %get3A_314 = arith.index_cast %get3A_313 : i32 to index
      %get3A_315 = arith.constant 16 : index
      %get3A_316 = tpu.vector_load %arg6[%get3A_314, %get3A_315] {strides = array<i32>} : memref<16x64xf32, #tpu.memory_space<vmem>>, vector<1x16xf32>,
      %get3A_317 = vector.shape_cast %get3A_316 : vector<1x16xf32> to vector<16xf32>
      %add3A_318 = arith.addf %add3A_312, %get3A_317 : vector<16xf32>
      %get3A_319 = arith.constant 13 : i32
      %get3A_320 = arith.index_cast %get3A_319 : i32 to index
      %get3A_321 = arith.constant 16 : index
      %get3A_322 = tpu.vector_load %arg6[%get3A_320, %get3A_321] {strides = array<i32>} : memref<16x64xf32, #tpu.memory_space<vmem>>, vector<1x16xf32>,
      %get3A_323 = vector.shape_cast %get3A_322 : vector<1x16xf32> to vector<16xf32>
      %add3A_324 = arith.addf %add3A_318, %get3A_323 : vector<16xf32>
      %get3A_325 = arith.constant 14 : i32
      %get3A_326 = arith.index_cast %get3A_325 : i32 to index
      %get3A_327 = arith.constant 16 : index
      %get3A_328 = tpu.vector_load %arg6[%get3A_326, %get3A_327] {strides = array<i32>} : memref<16x64xf32, #tpu.memory_space<vmem>>, vector<1x16xf32>,
      %get3A_329 = vector.shape_cast %get3A_328 : vector<1x16xf32> to vector<16xf32>
      %add3A_330 = arith.addf %add3A_324, %get3A_329 : vector<16xf32>
      %get3A_331 = arith.constant 15 : i32
      %get3A_332 = arith.index_cast %get3A_331 : i32 to index
      %get3A_333 = arith.constant 16 : index
      %get3A_334 = tpu.vector_load %arg6[%get3A_332, %get3A_333] {strides = array<i32>} : memref<16x64xf32, #tpu.memory_space<vmem>>, vector<1x16xf32>,
      %get3A_335 = vector.shape_cast %get3A_334 : vector<1x16xf32> to vector<16xf32>
      %add3A_336 = arith.addf %add3A_330, %get3A_335 : vector<16xf32>
      %swap3A_337 = arith.constant 16 : index
      %swap3A_338 = tpu.vector_load %arg7[%swap3A_337] {strides = array<i32>} : memref<64xf32, #tpu.memory_space<vmem>>, vector<16xf32>,
      %swap3A_339 = vector.shape_cast %swap3A_338 : vector<16xf32> to vector<16xf32>
      %swap3A_340 = vector.shape_cast %add3A_336 : vector<16xf32> to vector<16xf32>
      tpu.vector_store %arg7[%swap3A_337], %swap3A_340 {strides = array<i32>} : memref<64xf32, #tpu.memory_space<vmem>>, vector<16xf32>,
      %get3A_341 = arith.constant 8 : i32
      %get3A_342 = arith.index_cast %get3A_341 : i32 to index
      %get3A_343 = arith.constant 32 : index
      %get3A_344 = tpu.vector_load %arg6[%get3A_342, %get3A_343] {strides = array<i32>} : memref<16x64xf32, #tpu.memory_space<vmem>>, vector<1x16xf32>,
      %get3A_345 = vector.shape_cast %get3A_344 : vector<1x16xf32> to vector<16xf32>
      %add3A_346 = arith.addf %add3A_182, %get3A_345 : vector<16xf32>
      %get3A_347 = arith.constant 9 : i32
      %get3A_348 = arith.index_cast %get3A_347 : i32 to index
      %get3A_349 = arith.constant 32 : index
      %get3A_350 = tpu.vector_load %arg6[%get3A_348, %get3A_349] {strides = array<i32>} : memref<16x64xf32, #tpu.memory_space<vmem>>, vector<1x16xf32>,
      %get3A_351 = vector.shape_cast %get3A_350 : vector<1x16xf32> to vector<16xf32>
      %add3A_352 = arith.addf %add3A_346, %get3A_351 : vector<16xf32>
      %get3A_353 = arith.constant 10 : i32
      %get3A_354 = arith.index_cast %get3A_353 : i32 to index
      %get3A_355 = arith.constant 32 : index
      %get3A_356 = tpu.vector_load %arg6[%get3A_354, %get3A_355] {strides = array<i32>} : memref<16x64xf32, #tpu.memory_space<vmem>>, vector<1x16xf32>,
      %get3A_357 = vector.shape_cast %get3A_356 : vector<1x16xf32> to vector<16xf32>
      %add3A_358 = arith.addf %add3A_352, %get3A_357 : vector<16xf32>
      %get3A_359 = arith.constant 11 : i32
      %get3A_360 = arith.index_cast %get3A_359 : i32 to index
      %get3A_361 = arith.constant 32 : index
      %get3A_362 = tpu.vector_load %arg6[%get3A_360, %get3A_361] {strides = array<i32>} : memref<16x64xf32, #tpu.memory_space<vmem>>, vector<1x16xf32>,
      %get3A_363 = vector.shape_cast %get3A_362 : vector<1x16xf32> to vector<16xf32>
      %add3A_364 = arith.addf %add3A_358, %get3A_363 : vector<16xf32>
      %get3A_365 = arith.constant 12 : i32
      %get3A_366 = arith.index_cast %get3A_365 : i32 to index
      %get3A_367 = arith.constant 32 : index
      %get3A_368 = tpu.vector_load %arg6[%get3A_366, %get3A_367] {strides = array<i32>} : memref<16x64xf32, #tpu.memory_space<vmem>>, vector<1x16xf32>,
      %get3A_369 = vector.shape_cast %get3A_368 : vector<1x16xf32> to vector<16xf32>
      %add3A_370 = arith.addf %add3A_364, %get3A_369 : vector<16xf32>
      %get3A_371 = arith.constant 13 : i32
      %get3A_372 = arith.index_cast %get3A_371 : i32 to index
      %get3A_373 = arith.constant 32 : index
      %get3A_374 = tpu.vector_load %arg6[%get3A_372, %get3A_373] {strides = array<i32>} : memref<16x64xf32, #tpu.memory_space<vmem>>, vector<1x16xf32>,
      %get3A_375 = vector.shape_cast %get3A_374 : vector<1x16xf32> to vector<16xf32>
      %add3A_376 = arith.addf %add3A_370, %get3A_375 : vector<16xf32>
      %get3A_377 = arith.constant 14 : i32
      %get3A_378 = arith.index_cast %get3A_377 : i32 to index
      %get3A_379 = arith.constant 32 : index
      %get3A_380 = tpu.vector_load %arg6[%get3A_378, %get3A_379] {strides = array<i32>} : memref<16x64xf32, #tpu.memory_space<vmem>>, vector<1x16xf32>,
      %get3A_381 = vector.shape_cast %get3A_380 : vector<1x16xf32> to vector<16xf32>
      %add3A_382 = arith.addf %add3A_376, %get3A_381 : vector<16xf32>
      %get3A_383 = arith.constant 15 : i32
      %get3A_384 = arith.index_cast %get3A_383 : i32 to index
      %get3A_385 = arith.constant 32 : index
      %get3A_386 = tpu.vector_load %arg6[%get3A_384, %get3A_385] {strides = array<i32>} : memref<16x64xf32, #tpu.memory_space<vmem>>, vector<1x16xf32>,
      %get3A_387 = vector.shape_cast %get3A_386 : vector<1x16xf32> to vector<16xf32>
      %add3A_388 = arith.addf %add3A_382, %get3A_387 : vector<16xf32>
      %swap3A_389 = arith.constant 32 : index
      %swap3A_390 = tpu.vector_load %arg7[%swap3A_389] {strides = array<i32>} : memref<64xf32, #tpu.memory_space<vmem>>, vector<16xf32>,
      %swap3A_391 = vector.shape_cast %swap3A_390 : vector<16xf32> to vector<16xf32>
      %swap3A_392 = vector.shape_cast %add3A_388 : vector<16xf32> to vector<16xf32>
      tpu.vector_store %arg7[%swap3A_389], %swap3A_392 {strides = array<i32>} : memref<64xf32, #tpu.memory_space<vmem>>, vector<16xf32>,
      %get3A_393 = arith.constant 8 : i32
      %get3A_394 = arith.index_cast %get3A_393 : i32 to index
      %get3A_395 = arith.constant 48 : index
      %get3A_396 = tpu.vector_load %arg6[%get3A_394, %get3A_395] {strides = array<i32>} : memref<16x64xf32, #tpu.memory_space<vmem>>, vector<1x16xf32>,
      %get3A_397 = vector.shape_cast %get3A_396 : vector<1x16xf32> to vector<16xf32>
      %add3A_398 = arith.addf %add3A_229, %get3A_397 : vector<16xf32>
      %get3A_399 = arith.constant 9 : i32
      %get3A_400 = arith.index_cast %get3A_399 : i32 to index
      %get3A_401 = arith.constant 48 : index
      %get3A_402 = tpu.vector_load %arg6[%get3A_400, %get3A_401] {strides = array<i32>} : memref<16x64xf32, #tpu.memory_space<vmem>>, vector<1x16xf32>,
      %get3A_403 = vector.shape_cast %get3A_402 : vector<1x16xf32> to vector<16xf32>
      %add3A_404 = arith.addf %add3A_398, %get3A_403 : vector<16xf32>
      %get3A_405 = arith.constant 10 : i32
      %get3A_406 = arith.index_cast %get3A_405 : i32 to index
      %get3A_407 = arith.constant 48 : index
      %get3A_408 = tpu.vector_load %arg6[%get3A_406, %get3A_407] {strides = array<i32>} : memref<16x64xf32, #tpu.memory_space<vmem>>, vector<1x16xf32>,
      %get3A_409 = vector.shape_cast %get3A_408 : vector<1x16xf32> to vector<16xf32>
      %add3A_410 = arith.addf %add3A_404, %get3A_409 : vector<16xf32>
      %get3A_411 = arith.constant 11 : i32
      %get3A_412 = arith.index_cast %get3A_411 : i32 to index
      %get3A_413 = arith.constant 48 : index
      %get3A_414 = tpu.vector_load %arg6[%get3A_412, %get3A_413] {strides = array<i32>} : memref<16x64xf32, #tpu.memory_space<vmem>>, vector<1x16xf32>,
      %get3A_415 = vector.shape_cast %get3A_414 : vector<1x16xf32> to vector<16xf32>
      %add3A_416 = arith.addf %add3A_410, %get3A_415 : vector<16xf32>
      %get3A_417 = arith.constant 12 : i32
      %get3A_418 = arith.index_cast %get3A_417 : i32 to index
      %get3A_419 = arith.constant 48 : index
      %get3A_420 = tpu.vector_load %arg6[%get3A_418, %get3A_419] {strides = array<i32>} : memref<16x64xf32, #tpu.memory_space<vmem>>, vector<1x16xf32>,
      %get3A_421 = vector.shape_cast %get3A_420 : vector<1x16xf32> to vector<16xf32>
      %add3A_422 = arith.addf %add3A_416, %get3A_421 : vector<16xf32>
      %get3A_423 = arith.constant 13 : i32
      %get3A_424 = arith.index_cast %get3A_423 : i32 to index
      %get3A_425 = arith.constant 48 : index
      %get3A_426 = tpu.vector_load %arg6[%get3A_424, %get3A_425] {strides = array<i32>} : memref<16x64xf32, #tpu.memory_space<vmem>>, vector<1x16xf32>,
      %get3A_427 = vector.shape_cast %get3A_426 : vector<1x16xf32> to vector<16xf32>
      %add3A_428 = arith.addf %add3A_422, %get3A_427 : vector<16xf32>
      %get3A_429 = arith.constant 14 : i32
      %get3A_430 = arith.index_cast %get3A_429 : i32 to index
      %get3A_431 = arith.constant 48 : index
      %get3A_432 = tpu.vector_load %arg6[%get3A_430, %get3A_431] {strides = array<i32>} : memref<16x64xf32, #tpu.memory_space<vmem>>, vector<1x16xf32>,
      %get3A_433 = vector.shape_cast %get3A_432 : vector<1x16xf32> to vector<16xf32>
      %add3A_434 = arith.addf %add3A_428, %get3A_433 : vector<16xf32>
      %get3A_435 = arith.constant 15 : i32
      %get3A_436 = arith.index_cast %get3A_435 : i32 to index
      %get3A_437 = arith.constant 48 : index
      %get3A_438 = tpu.vector_load %arg6[%get3A_436, %get3A_437] {strides = array<i32>} : memref<16x64xf32, #tpu.memory_space<vmem>>, vector<1x16xf32>,
      %get3A_439 = vector.shape_cast %get3A_438 : vector<1x16xf32> to vector<16xf32>
      %add3A_440 = arith.addf %add3A_434, %get3A_439 : vector<16xf32>
      %swap3A_441 = arith.constant 48 : index
      %swap3A_442 = tpu.vector_load %arg7[%swap3A_441] {strides = array<i32>} : memref<64xf32, #tpu.memory_space<vmem>>, vector<16xf32>,
      %swap3A_443 = vector.shape_cast %swap3A_442 : vector<16xf32> to vector<16xf32>
      %swap3A_444 = vector.shape_cast %add3A_440 : vector<16xf32> to vector<16xf32>
      tpu.vector_store %arg7[%swap3A_441], %swap3A_444 {strides = array<i32>} : memref<64xf32, #tpu.memory_space<vmem>>, vector<16xf32>,
      "tpu.region"() ({
        %run_scoped3A = tpu.sem_alloc : memref<!tpu.dma_semaphore, #tpu.memory_space<semaphore_mem>>
        %dma_start3A_445 = arith.constant 0 : i32
        %dma_start3A_446 = tpu.memref_slice %arg9[%arg1, %dma_start3A_445] : memref<13x64xf32, #tpu.memory_space<vmem_shared>> -> memref<1x64xf32, #tpu.memory_space<vmem_shared>>
        %dma_start3A_447 = tpu.memref_squeeze %dma_start3A_446 : memref<1x64xf32, #tpu.memory_space<vmem_shared>> -> memref<64xf32, #tpu.memory_space<vmem_shared>>
        %dma_start3A_448 = arith.constant 0 : i32
        %dma_start3A_449 = tpu.memref_slice %arg9[%arg1, %dma_start3A_448] : memref<13x64xf32, #tpu.memory_space<vmem_shared>> -> memref<1x64xf32, #tpu.memory_space<vmem_shared>>
        %dma_start3A_450 = tpu.memref_squeeze %dma_start3A_449 : memref<1x64xf32, #tpu.memory_space<vmem_shared>> -> memref<64xf32, #tpu.memory_space<vmem_shared>>
        tpu.enqueue_dma source(%arg7 : memref<64xf32, #tpu.memory_space<vmem>>) target(%dma_start3A_450 : memref<64xf32, #tpu.memory_space<vmem_shared>>) target_semaphore(%run_scoped3A : memref<!tpu.dma_semaphore, #tpu.memory_space<semaphore_mem>>)
        %dma_wait3A_451 = arith.constant 0 : i32
        %dma_wait3A_452 = tpu.memref_slice %arg9[%arg1, %dma_wait3A_451] : memref<13x64xf32, #tpu.memory_space<vmem_shared>> -> memref<1x64xf32, #tpu.memory_space<vmem_shared>>
        %dma_wait3A_453 = tpu.memref_squeeze %dma_wait3A_452 : memref<1x64xf32, #tpu.memory_space<vmem_shared>> -> memref<64xf32, #tpu.memory_space<vmem_shared>>
        %dma_wait3A_454 = arith.constant 0 : i32
        %dma_wait3A_455 = tpu.memref_slice %arg9[%arg1, %dma_wait3A_454] : memref<13x64xf32, #tpu.memory_space<vmem_shared>> -> memref<1x64xf32, #tpu.memory_space<vmem_shared>>
        %dma_wait3A_456 = tpu.memref_squeeze %dma_wait3A_455 : memref<1x64xf32, #tpu.memory_space<vmem_shared>> -> memref<64xf32, #tpu.memory_space<vmem_shared>>
        tpu.wait_dma2 semaphore(%run_scoped3A : memref<!tpu.dma_semaphore, #tpu.memory_space<semaphore_mem>>) src(%arg7 : memref<64xf32, #tpu.memory_space<vmem>>) dst(%dma_wait3A_456 : memref<64xf32, #tpu.memory_space<vmem_shared>>)
        tpu.yield
      }) : () -> ()
    } else {
    }
    %eq3A_3 = arith.constant 0 : i32
    %eq3A_4 = arith.cmpi eq, %arg0, %eq3A_3 : i32
    %eq3A_5 = arith.constant 12 : i32
    %eq3A_6 = arith.cmpi eq, %arg1, %eq3A_5 : i32
    %and3A_7 = arith.andi %eq3A_4, %eq3A_6 : i1
    %convert_element_type3A_8 = arith.extui %and3A_7 : i1 to i32
    %cond3A_9 = arith.constant 0 : i32
    %cond3A_10 = arith.cmpi ne, %convert_element_type3A_8, %cond3A_9 : i32
    scf.if %cond3A_10 {
      "tpu.region"() ({
        %run_scoped3A_234 = tpu.sem_alloc : memref<!tpu.dma_semaphore, #tpu.memory_space<semaphore_mem>>
        %dma_start3A_235 = arith.constant 0 : i32
        %dma_start3A_236 = tpu.memref_slice %arg5[%dma_start3A_235] : memref<16xi32, #tpu.memory_space<vmem>> -> memref<8xi32, #tpu.memory_space<vmem>>
        %dma_start3A_237 = arith.constant 192 : i32
        %dma_start3A_238 = tpu.memref_slice %arg2[%dma_start3A_237] : memref<200xi32, #tpu.memory_space<hbm>> -> memref<8xi32, #tpu.memory_space<hbm>>
        %dma_start3A_239 = arith.constant 0 : i32
        %dma_start3A_240 = tpu.memref_slice %arg5[%dma_start3A_239] : memref<16xi32, #tpu.memory_space<vmem>> -> memref<8xi32, #tpu.memory_space<vmem>>
        %dma_start3A_241 = arith.constant 192 : i32
        %dma_start3A_242 = tpu.memref_slice %arg2[%dma_start3A_241] : memref<200xi32, #tpu.memory_space<hbm>> -> memref<8xi32, #tpu.memory_space<hbm>>
        tpu.enqueue_dma source(%dma_start3A_242 : memref<8xi32, #tpu.memory_space<hbm>>) target(%dma_start3A_240 : memref<8xi32, #tpu.memory_space<vmem>>) target_semaphore(%run_scoped3A_234 : memref<!tpu.dma_semaphore, #tpu.memory_space<semaphore_mem>>)
        %dma_wait3A_243 = arith.constant 0 : i32
        %dma_wait3A_244 = tpu.memref_slice %arg5[%dma_wait3A_243] : memref<16xi32, #tpu.memory_space<vmem>> -> memref<8xi32, #tpu.memory_space<vmem>>
        %dma_wait3A_245 = arith.constant 192 : i32
        %dma_wait3A_246 = tpu.memref_slice %arg2[%dma_wait3A_245] : memref<200xi32, #tpu.memory_space<hbm>> -> memref<8xi32, #tpu.memory_space<hbm>>
        %dma_wait3A_247 = arith.constant 0 : i32
        %dma_wait3A_248 = tpu.memref_slice %arg5[%dma_wait3A_247] : memref<16xi32, #tpu.memory_space<vmem>> -> memref<8xi32, #tpu.memory_space<vmem>>
        %dma_wait3A_249 = arith.constant 192 : i32
        %dma_wait3A_250 = tpu.memref_slice %arg2[%dma_wait3A_249] : memref<200xi32, #tpu.memory_space<hbm>> -> memref<8xi32, #tpu.memory_space<hbm>>
        tpu.wait_dma2 semaphore(%run_scoped3A_234 : memref<!tpu.dma_semaphore, #tpu.memory_space<semaphore_mem>>) src(%dma_wait3A_250 : memref<8xi32, #tpu.memory_space<hbm>>) dst(%dma_wait3A_248 : memref<8xi32, #tpu.memory_space<vmem>>)
        tpu.yield
      }) : () -> ()
      %dma_start3A = arith.constant 0 : i32
      %dma_start3A_19 = arith.constant 0 : i32
      %dma_start3A_20 = tpu.memref_slice %arg6[%dma_start3A, %dma_start3A_19] : memref<16x64xf32, #tpu.memory_space<vmem>> -> memref<8x64xf32, #tpu.memory_space<vmem>>
      %dma_start3A_21 = arith.constant 0 : i32
      %dma_start3A_22 = tpu.memref_slice %arg5[%dma_start3A_21] : memref<16xi32, #tpu.memory_space<vmem>> -> memref<8xi32, #tpu.memory_space<vmem>>
      %dma_start3A_23 = arith.constant 0 : i32
      %dma_start3A_24 = arith.constant 0 : i32
      %dma_start3A_25 = tpu.memref_slice %arg3[%dma_start3A_23, %dma_start3A_24] : memref<1000x64xf32, #tpu.memory_space<hbm>> -> memref<1000x64xf32, #tpu.memory_space<hbm>>
      tpu.enqueue_indirect_dma source(%dma_start3A_25 : memref<1000x64xf32, #tpu.memory_space<hbm>>) target(%dma_start3A_20 : memref<8x64xf32, #tpu.memory_space<vmem>>) offsets(%dma_start3A_22 : memref<8xi32, #tpu.memory_space<vmem>>) semaphore(%arg10 : memref<!tpu.dma_semaphore, #tpu.memory_space<semaphore_mem>>)
      %dma_wait3A = arith.constant 0 : i32
      %dma_wait3A_26 = arith.constant 0 : i32
      %dma_wait3A_27 = tpu.memref_slice %arg6[%dma_wait3A, %dma_wait3A_26] : memref<16x64xf32, #tpu.memory_space<vmem>> -> memref<8x64xf32, #tpu.memory_space<vmem>>
      %dma_wait3A_28 = arith.constant 0 : i32
      %dma_wait3A_29 = tpu.memref_slice %arg5[%dma_wait3A_28] : memref<16xi32, #tpu.memory_space<vmem>> -> memref<8xi32, #tpu.memory_space<vmem>>
      %dma_wait3A_30 = arith.constant 0 : i32
      %dma_wait3A_31 = arith.constant 0 : i32
      %dma_wait3A_32 = tpu.memref_slice %arg3[%dma_wait3A_30, %dma_wait3A_31] : memref<1000x64xf32, #tpu.memory_space<hbm>> -> memref<1000x64xf32, #tpu.memory_space<hbm>>
      tpu.wait_indirect_dma semaphore(%arg10 : memref<!tpu.dma_semaphore, #tpu.memory_space<semaphore_mem>>) src(%dma_wait3A_32 : memref<1000x64xf32, #tpu.memory_space<hbm>>) dst(%dma_wait3A_27 : memref<8x64xf32, #tpu.memory_space<vmem>>)
      %get3A = arith.constant 0 : i32
      %get3A_33 = arith.index_cast %get3A : i32 to index
      %get3A_34 = arith.constant 0 : index
      %get3A_35 = tpu.vector_load %arg6[%get3A_33, %get3A_34] {strides = array<i32>} : memref<16x64xf32, #tpu.memory_space<vmem>>, vector<1x16xf32>,
      %get3A_36 = vector.shape_cast %get3A_35 : vector<1x16xf32> to vector<16xf32>
      %get3A_37 = arith.constant 1 : i32
      %get3A_38 = arith.index_cast %get3A_37 : i32 to index
      %get3A_39 = arith.constant 0 : index
      %get3A_40 = tpu.vector_load %arg6[%get3A_38, %get3A_39] {strides = array<i32>} : memref<16x64xf32, #tpu.memory_space<vmem>>, vector<1x16xf32>,
      %get3A_41 = vector.shape_cast %get3A_40 : vector<1x16xf32> to vector<16xf32>
      %add3A = arith.addf %get3A_36, %get3A_41 : vector<16xf32>
      %get3A_42 = arith.constant 2 : i32
      %get3A_43 = arith.index_cast %get3A_42 : i32 to index
      %get3A_44 = arith.constant 0 : index
      %get3A_45 = tpu.vector_load %arg6[%get3A_43, %get3A_44] {strides = array<i32>} : memref<16x64xf32, #tpu.memory_space<vmem>>, vector<1x16xf32>,
      %get3A_46 = vector.shape_cast %get3A_45 : vector<1x16xf32> to vector<16xf32>
      %add3A_47 = arith.addf %add3A, %get3A_46 : vector<16xf32>
      %get3A_48 = arith.constant 3 : i32
      %get3A_49 = arith.index_cast %get3A_48 : i32 to index
      %get3A_50 = arith.constant 0 : index
      %get3A_51 = tpu.vector_load %arg6[%get3A_49, %get3A_50] {strides = array<i32>} : memref<16x64xf32, #tpu.memory_space<vmem>>, vector<1x16xf32>,
      %get3A_52 = vector.shape_cast %get3A_51 : vector<1x16xf32> to vector<16xf32>
      %add3A_53 = arith.addf %add3A_47, %get3A_52 : vector<16xf32>
      %get3A_54 = arith.constant 4 : i32
      %get3A_55 = arith.index_cast %get3A_54 : i32 to index
      %get3A_56 = arith.constant 0 : index
      %get3A_57 = tpu.vector_load %arg6[%get3A_55, %get3A_56] {strides = array<i32>} : memref<16x64xf32, #tpu.memory_space<vmem>>, vector<1x16xf32>,
      %get3A_58 = vector.shape_cast %get3A_57 : vector<1x16xf32> to vector<16xf32>
      %add3A_59 = arith.addf %add3A_53, %get3A_58 : vector<16xf32>
      %get3A_60 = arith.constant 5 : i32
      %get3A_61 = arith.index_cast %get3A_60 : i32 to index
      %get3A_62 = arith.constant 0 : index
      %get3A_63 = tpu.vector_load %arg6[%get3A_61, %get3A_62] {strides = array<i32>} : memref<16x64xf32, #tpu.memory_space<vmem>>, vector<1x16xf32>,
      %get3A_64 = vector.shape_cast %get3A_63 : vector<1x16xf32> to vector<16xf32>
      %add3A_65 = arith.addf %add3A_59, %get3A_64 : vector<16xf32>
      %get3A_66 = arith.constant 6 : i32
      %get3A_67 = arith.index_cast %get3A_66 : i32 to index
      %get3A_68 = arith.constant 0 : index
      %get3A_69 = tpu.vector_load %arg6[%get3A_67, %get3A_68] {strides = array<i32>} : memref<16x64xf32, #tpu.memory_space<vmem>>, vector<1x16xf32>,
      %get3A_70 = vector.shape_cast %get3A_69 : vector<1x16xf32> to vector<16xf32>
      %add3A_71 = arith.addf %add3A_65, %get3A_70 : vector<16xf32>
      %get3A_72 = arith.constant 7 : i32
      %get3A_73 = arith.index_cast %get3A_72 : i32 to index
      %get3A_74 = arith.constant 0 : index
      %get3A_75 = tpu.vector_load %arg6[%get3A_73, %get3A_74] {strides = array<i32>} : memref<16x64xf32, #tpu.memory_space<vmem>>, vector<1x16xf32>,
      %get3A_76 = vector.shape_cast %get3A_75 : vector<1x16xf32> to vector<16xf32>
      %add3A_77 = arith.addf %add3A_71, %get3A_76 : vector<16xf32>
      %swap3A = arith.constant 0 : index
      %swap3A_78 = tpu.vector_load %arg7[%swap3A] {strides = array<i32>} : memref<64xf32, #tpu.memory_space<vmem>>, vector<16xf32>,
      %swap3A_79 = vector.shape_cast %swap3A_78 : vector<16xf32> to vector<16xf32>
      %swap3A_80 = vector.shape_cast %add3A_77 : vector<16xf32> to vector<16xf32>
      tpu.vector_store %arg7[%swap3A], %swap3A_80 {strides = array<i32>} : memref<64xf32, #tpu.memory_space<vmem>>, vector<16xf32>,
      %get3A_81 = arith.constant 0 : i32
      %get3A_82 = arith.index_cast %get3A_81 : i32 to index
      %get3A_83 = arith.constant 16 : index
      %get3A_84 = tpu.vector_load %arg6[%get3A_82, %get3A_83] {strides = array<i32>} : memref<16x64xf32, #tpu.memory_space<vmem>>, vector<1x16xf32>,
      %get3A_85 = vector.shape_cast %get3A_84 : vector<1x16xf32> to vector<16xf32>
      %get3A_86 = arith.constant 1 : i32
      %get3A_87 = arith.index_cast %get3A_86 : i32 to index
      %get3A_88 = arith.constant 16 : index
      %get3A_89 = tpu.vector_load %arg6[%get3A_87, %get3A_88] {strides = array<i32>} : memref<16x64xf32, #tpu.memory_space<vmem>>, vector<1x16xf32>,
      %get3A_90 = vector.shape_cast %get3A_89 : vector<1x16xf32> to vector<16xf32>
      %add3A_91 = arith.addf %get3A_85, %get3A_90 : vector<16xf32>
      %get3A_92 = arith.constant 2 : i32
      %get3A_93 = arith.index_cast %get3A_92 : i32 to index
      %get3A_94 = arith.constant 16 : index
      %get3A_95 = tpu.vector_load %arg6[%get3A_93, %get3A_94] {strides = array<i32>} : memref<16x64xf32, #tpu.memory_space<vmem>>, vector<1x16xf32>,
      %get3A_96 = vector.shape_cast %get3A_95 : vector<1x16xf32> to vector<16xf32>
      %add3A_97 = arith.addf %add3A_91, %get3A_96 : vector<16xf32>
      %get3A_98 = arith.constant 3 : i32
      %get3A_99 = arith.index_cast %get3A_98 : i32 to index
      %get3A_100 = arith.constant 16 : index
      %get3A_101 = tpu.vector_load %arg6[%get3A_99, %get3A_100] {strides = array<i32>} : memref<16x64xf32, #tpu.memory_space<vmem>>, vector<1x16xf32>,
      %get3A_102 = vector.shape_cast %get3A_101 : vector<1x16xf32> to vector<16xf32>
      %add3A_103 = arith.addf %add3A_97, %get3A_102 : vector<16xf32>
      %get3A_104 = arith.constant 4 : i32
      %get3A_105 = arith.index_cast %get3A_104 : i32 to index
      %get3A_106 = arith.constant 16 : index
      %get3A_107 = tpu.vector_load %arg6[%get3A_105, %get3A_106] {strides = array<i32>} : memref<16x64xf32, #tpu.memory_space<vmem>>, vector<1x16xf32>,
      %get3A_108 = vector.shape_cast %get3A_107 : vector<1x16xf32> to vector<16xf32>
      %add3A_109 = arith.addf %add3A_103, %get3A_108 : vector<16xf32>
      %get3A_110 = arith.constant 5 : i32
      %get3A_111 = arith.index_cast %get3A_110 : i32 to index
      %get3A_112 = arith.constant 16 : index
      %get3A_113 = tpu.vector_load %arg6[%get3A_111, %get3A_112] {strides = array<i32>} : memref<16x64xf32, #tpu.memory_space<vmem>>, vector<1x16xf32>,
      %get3A_114 = vector.shape_cast %get3A_113 : vector<1x16xf32> to vector<16xf32>
      %add3A_115 = arith.addf %add3A_109, %get3A_114 : vector<16xf32>
      %get3A_116 = arith.constant 6 : i32
      %get3A_117 = arith.index_cast %get3A_116 : i32 to index
      %get3A_118 = arith.constant 16 : index
      %get3A_119 = tpu.vector_load %arg6[%get3A_117, %get3A_118] {strides = array<i32>} : memref<16x64xf32, #tpu.memory_space<vmem>>, vector<1x16xf32>,
      %get3A_120 = vector.shape_cast %get3A_119 : vector<1x16xf32> to vector<16xf32>
      %add3A_121 = arith.addf %add3A_115, %get3A_120 : vector<16xf32>
      %get3A_122 = arith.constant 7 : i32
      %get3A_123 = arith.index_cast %get3A_122 : i32 to index
      %get3A_124 = arith.constant 16 : index
      %get3A_125 = tpu.vector_load %arg6[%get3A_123, %get3A_124] {strides = array<i32>} : memref<16x64xf32, #tpu.memory_space<vmem>>, vector<1x16xf32>,
      %get3A_126 = vector.shape_cast %get3A_125 : vector<1x16xf32> to vector<16xf32>
      %add3A_127 = arith.addf %add3A_121, %get3A_126 : vector<16xf32>
      %swap3A_128 = arith.constant 16 : index
      %swap3A_129 = tpu.vector_load %arg7[%swap3A_128] {strides = array<i32>} : memref<64xf32, #tpu.memory_space<vmem>>, vector<16xf32>,
      %swap3A_130 = vector.shape_cast %swap3A_129 : vector<16xf32> to vector<16xf32>
      %swap3A_131 = vector.shape_cast %add3A_127 : vector<16xf32> to vector<16xf32>
      tpu.vector_store %arg7[%swap3A_128], %swap3A_131 {strides = array<i32>} : memref<64xf32, #tpu.memory_space<vmem>>, vector<16xf32>,
      %get3A_132 = arith.constant 0 : i32
      %get3A_133 = arith.index_cast %get3A_132 : i32 to index
      %get3A_134 = arith.constant 32 : index
      %get3A_135 = tpu.vector_load %arg6[%get3A_133, %get3A_134] {strides = array<i32>} : memref<16x64xf32, #tpu.memory_space<vmem>>, vector<1x16xf32>,
      %get3A_136 = vector.shape_cast %get3A_135 : vector<1x16xf32> to vector<16xf32>
      %get3A_137 = arith.constant 1 : i32
      %get3A_138 = arith.index_cast %get3A_137 : i32 to index
      %get3A_139 = arith.constant 32 : index
      %get3A_140 = tpu.vector_load %arg6[%get3A_138, %get3A_139] {strides = array<i32>} : memref<16x64xf32, #tpu.memory_space<vmem>>, vector<1x16xf32>,
      %get3A_141 = vector.shape_cast %get3A_140 : vector<1x16xf32> to vector<16xf32>
      %add3A_142 = arith.addf %get3A_136, %get3A_141 : vector<16xf32>
      %get3A_143 = arith.constant 2 : i32
      %get3A_144 = arith.index_cast %get3A_143 : i32 to index
      %get3A_145 = arith.constant 32 : index
      %get3A_146 = tpu.vector_load %arg6[%get3A_144, %get3A_145] {strides = array<i32>} : memref<16x64xf32, #tpu.memory_space<vmem>>, vector<1x16xf32>,
      %get3A_147 = vector.shape_cast %get3A_146 : vector<1x16xf32> to vector<16xf32>
      %add3A_148 = arith.addf %add3A_142, %get3A_147 : vector<16xf32>
      %get3A_149 = arith.constant 3 : i32
      %get3A_150 = arith.index_cast %get3A_149 : i32 to index
      %get3A_151 = arith.constant 32 : index
      %get3A_152 = tpu.vector_load %arg6[%get3A_150, %get3A_151] {strides = array<i32>} : memref<16x64xf32, #tpu.memory_space<vmem>>, vector<1x16xf32>,
      %get3A_153 = vector.shape_cast %get3A_152 : vector<1x16xf32> to vector<16xf32>
      %add3A_154 = arith.addf %add3A_148, %get3A_153 : vector<16xf32>
      %get3A_155 = arith.constant 4 : i32
      %get3A_156 = arith.index_cast %get3A_155 : i32 to index
      %get3A_157 = arith.constant 32 : index
      %get3A_158 = tpu.vector_load %arg6[%get3A_156, %get3A_157] {strides = array<i32>} : memref<16x64xf32, #tpu.memory_space<vmem>>, vector<1x16xf32>,
      %get3A_159 = vector.shape_cast %get3A_158 : vector<1x16xf32> to vector<16xf32>
      %add3A_160 = arith.addf %add3A_154, %get3A_159 : vector<16xf32>
      %get3A_161 = arith.constant 5 : i32
      %get3A_162 = arith.index_cast %get3A_161 : i32 to index
      %get3A_163 = arith.constant 32 : index
      %get3A_164 = tpu.vector_load %arg6[%get3A_162, %get3A_163] {strides = array<i32>} : memref<16x64xf32, #tpu.memory_space<vmem>>, vector<1x16xf32>,
      %get3A_165 = vector.shape_cast %get3A_164 : vector<1x16xf32> to vector<16xf32>
      %add3A_166 = arith.addf %add3A_160, %get3A_165 : vector<16xf32>
      %get3A_167 = arith.constant 6 : i32
      %get3A_168 = arith.index_cast %get3A_167 : i32 to index
      %get3A_169 = arith.constant 32 : index
      %get3A_170 = tpu.vector_load %arg6[%get3A_168, %get3A_169] {strides = array<i32>} : memref<16x64xf32, #tpu.memory_space<vmem>>, vector<1x16xf32>,
      %get3A_171 = vector.shape_cast %get3A_170 : vector<1x16xf32> to vector<16xf32>
      %add3A_172 = arith.addf %add3A_166, %get3A_171 : vector<16xf32>
      %get3A_173 = arith.constant 7 : i32
      %get3A_174 = arith.index_cast %get3A_173 : i32 to index
      %get3A_175 = arith.constant 32 : index
      %get3A_176 = tpu.vector_load %arg6[%get3A_174, %get3A_175] {strides = array<i32>} : memref<16x64xf32, #tpu.memory_space<vmem>>, vector<1x16xf32>,
      %get3A_177 = vector.shape_cast %get3A_176 : vector<1x16xf32> to vector<16xf32>
      %add3A_178 = arith.addf %add3A_172, %get3A_177 : vector<16xf32>
      %swap3A_179 = arith.constant 32 : index
      %swap3A_180 = tpu.vector_load %arg7[%swap3A_179] {strides = array<i32>} : memref<64xf32, #tpu.memory_space<vmem>>, vector<16xf32>,
      %swap3A_181 = vector.shape_cast %swap3A_180 : vector<16xf32> to vector<16xf32>
      %swap3A_182 = vector.shape_cast %add3A_178 : vector<16xf32> to vector<16xf32>
      tpu.vector_store %arg7[%swap3A_179], %swap3A_182 {strides = array<i32>} : memref<64xf32, #tpu.memory_space<vmem>>, vector<16xf32>,
      %get3A_183 = arith.constant 0 : i32
      %get3A_184 = arith.index_cast %get3A_183 : i32 to index
      %get3A_185 = arith.constant 48 : index
      %get3A_186 = tpu.vector_load %arg6[%get3A_184, %get3A_185] {strides = array<i32>} : memref<16x64xf32, #tpu.memory_space<vmem>>, vector<1x16xf32>,
      %get3A_187 = vector.shape_cast %get3A_186 : vector<1x16xf32> to vector<16xf32>
      %get3A_188 = arith.constant 1 : i32
      %get3A_189 = arith.index_cast %get3A_188 : i32 to index
      %get3A_190 = arith.constant 48 : index
      %get3A_191 = tpu.vector_load %arg6[%get3A_189, %get3A_190] {strides = array<i32>} : memref<16x64xf32, #tpu.memory_space<vmem>>, vector<1x16xf32>,
      %get3A_192 = vector.shape_cast %get3A_191 : vector<1x16xf32> to vector<16xf32>
      %add3A_193 = arith.addf %get3A_187, %get3A_192 : vector<16xf32>
      %get3A_194 = arith.constant 2 : i32
      %get3A_195 = arith.index_cast %get3A_194 : i32 to index
      %get3A_196 = arith.constant 48 : index
      %get3A_197 = tpu.vector_load %arg6[%get3A_195, %get3A_196] {strides = array<i32>} : memref<16x64xf32, #tpu.memory_space<vmem>>, vector<1x16xf32>,
      %get3A_198 = vector.shape_cast %get3A_197 : vector<1x16xf32> to vector<16xf32>
      %add3A_199 = arith.addf %add3A_193, %get3A_198 : vector<16xf32>
      %get3A_200 = arith.constant 3 : i32
      %get3A_201 = arith.index_cast %get3A_200 : i32 to index
      %get3A_202 = arith.constant 48 : index
      %get3A_203 = tpu.vector_load %arg6[%get3A_201, %get3A_202] {strides = array<i32>} : memref<16x64xf32, #tpu.memory_space<vmem>>, vector<1x16xf32>,
      %get3A_204 = vector.shape_cast %get3A_203 : vector<1x16xf32> to vector<16xf32>
      %add3A_205 = arith.addf %add3A_199, %get3A_204 : vector<16xf32>
      %get3A_206 = arith.constant 4 : i32
      %get3A_207 = arith.index_cast %get3A_206 : i32 to index
      %get3A_208 = arith.constant 48 : index
      %get3A_209 = tpu.vector_load %arg6[%get3A_207, %get3A_208] {strides = array<i32>} : memref<16x64xf32, #tpu.memory_space<vmem>>, vector<1x16xf32>,
      %get3A_210 = vector.shape_cast %get3A_209 : vector<1x16xf32> to vector<16xf32>
      %add3A_211 = arith.addf %add3A_205, %get3A_210 : vector<16xf32>
      %get3A_212 = arith.constant 5 : i32
      %get3A_213 = arith.index_cast %get3A_212 : i32 to index
      %get3A_214 = arith.constant 48 : index
      %get3A_215 = tpu.vector_load %arg6[%get3A_213, %get3A_214] {strides = array<i32>} : memref<16x64xf32, #tpu.memory_space<vmem>>, vector<1x16xf32>,
      %get3A_216 = vector.shape_cast %get3A_215 : vector<1x16xf32> to vector<16xf32>
      %add3A_217 = arith.addf %add3A_211, %get3A_216 : vector<16xf32>
      %get3A_218 = arith.constant 6 : i32
      %get3A_219 = arith.index_cast %get3A_218 : i32 to index
      %get3A_220 = arith.constant 48 : index
      %get3A_221 = tpu.vector_load %arg6[%get3A_219, %get3A_220] {strides = array<i32>} : memref<16x64xf32, #tpu.memory_space<vmem>>, vector<1x16xf32>,
      %get3A_222 = vector.shape_cast %get3A_221 : vector<1x16xf32> to vector<16xf32>
      %add3A_223 = arith.addf %add3A_217, %get3A_222 : vector<16xf32>
      %get3A_224 = arith.constant 7 : i32
      %get3A_225 = arith.index_cast %get3A_224 : i32 to index
      %get3A_226 = arith.constant 48 : index
      %get3A_227 = tpu.vector_load %arg6[%get3A_225, %get3A_226] {strides = array<i32>} : memref<16x64xf32, #tpu.memory_space<vmem>>, vector<1x16xf32>,
      %get3A_228 = vector.shape_cast %get3A_227 : vector<1x16xf32> to vector<16xf32>
      %add3A_229 = arith.addf %add3A_223, %get3A_228 : vector<16xf32>
      %swap3A_230 = arith.constant 48 : index
      %swap3A_231 = tpu.vector_load %arg7[%swap3A_230] {strides = array<i32>} : memref<64xf32, #tpu.memory_space<vmem>>, vector<16xf32>,
      %swap3A_232 = vector.shape_cast %swap3A_231 : vector<16xf32> to vector<16xf32>
      %swap3A_233 = vector.shape_cast %add3A_229 : vector<16xf32> to vector<16xf32>
      tpu.vector_store %arg7[%swap3A_230], %swap3A_233 {strides = array<i32>} : memref<64xf32, #tpu.memory_space<vmem>>, vector<16xf32>,
      %run_scoped3A = arith.constant 12 : i32
      "tpu.region"() ({
        %run_scoped3A_234 = tpu.sem_alloc : memref<!tpu.dma_semaphore, #tpu.memory_space<semaphore_mem>>
        %dma_start3A_235 = arith.constant 0 : i32
        %dma_start3A_236 = tpu.memref_slice %arg9[%run_scoped3A, %dma_start3A_235] : memref<13x64xf32, #tpu.memory_space<vmem_shared>> -> memref<1x64xf32, #tpu.memory_space<vmem_shared>>
        %dma_start3A_237 = tpu.memref_squeeze %dma_start3A_236 : memref<1x64xf32, #tpu.memory_space<vmem_shared>> -> memref<64xf32, #tpu.memory_space<vmem_shared>>
        %dma_start3A_238 = arith.constant 0 : i32
        %dma_start3A_239 = tpu.memref_slice %arg9[%run_scoped3A, %dma_start3A_238] : memref<13x64xf32, #tpu.memory_space<vmem_shared>> -> memref<1x64xf32, #tpu.memory_space<vmem_shared>>
        %dma_start3A_240 = tpu.memref_squeeze %dma_start3A_239 : memref<1x64xf32, #tpu.memory_space<vmem_shared>> -> memref<64xf32, #tpu.memory_space<vmem_shared>>
        tpu.enqueue_dma source(%arg7 : memref<64xf32, #tpu.memory_space<vmem>>) target(%dma_start3A_240 : memref<64xf32, #tpu.memory_space<vmem_shared>>) target_semaphore(%run_scoped3A_234 : memref<!tpu.dma_semaphore, #tpu.memory_space<semaphore_mem>>)
        %dma_wait3A_241 = arith.constant 0 : i32
        %dma_wait3A_242 = tpu.memref_slice %arg9[%run_scoped3A, %dma_wait3A_241] : memref<13x64xf32, #tpu.memory_space<vmem_shared>> -> memref<1x64xf32, #tpu.memory_space<vmem_shared>>
        %dma_wait3A_243 = tpu.memref_squeeze %dma_wait3A_242 : memref<1x64xf32, #tpu.memory_space<vmem_shared>> -> memref<64xf32, #tpu.memory_space<vmem_shared>>
        %dma_wait3A_244 = arith.constant 0 : i32
        %dma_wait3A_245 = tpu.memref_slice %arg9[%run_scoped3A, %dma_wait3A_244] : memref<13x64xf32, #tpu.memory_space<vmem_shared>> -> memref<1x64xf32, #tpu.memory_space<vmem_shared>>
        %dma_wait3A_246 = tpu.memref_squeeze %dma_wait3A_245 : memref<1x64xf32, #tpu.memory_space<vmem_shared>> -> memref<64xf32, #tpu.memory_space<vmem_shared>>
        tpu.wait_dma2 semaphore(%run_scoped3A_234 : memref<!tpu.dma_semaphore, #tpu.memory_space<semaphore_mem>>) src(%arg7 : memref<64xf32, #tpu.memory_space<vmem>>) dst(%dma_wait3A_246 : memref<64xf32, #tpu.memory_space<vmem_shared>>)
        tpu.yield
      }) : () -> ()
    } else {
    }
    %barrier3A = arith.constant 0 : index
    tpu.barrier barrier_id(%barrier3A)
    %eq3A_11 = arith.constant 0 : i32
    %eq3A_12 = arith.cmpi eq, %arg0, %eq3A_11 : i32
    %lt3A_13 = arith.constant 4 : i32
    %lt3A_14 = arith.cmpi slt, %arg1, %lt3A_13 : i32
    %and3A_15 = arith.andi %eq3A_12, %lt3A_14 : i1
    %convert_element_type3A_16 = arith.extui %and3A_15 : i1 to i32
    %cond3A_17 = arith.constant 0 : i32
    %cond3A_18 = arith.cmpi ne, %convert_element_type3A_16, %cond3A_17 : i32
    scf.if %cond3A_18 {
      %mul3A = arith.constant 16 : i32
      %mul3A_19 = arith.muli %arg1, %mul3A : i32
      "tpu.region"() ({
        %run_scoped3A = tpu.sem_alloc : memref<!tpu.dma_semaphore, #tpu.memory_space<semaphore_mem>>
        %dma_start3A = arith.constant 0 : i32
        %dma_start3A_100 = tpu.memref_slice %arg9[%dma_start3A, %mul3A_19] : memref<13x64xf32, #tpu.memory_space<vmem_shared>> -> memref<13x16xf32, #tpu.memory_space<vmem_shared>>
        %dma_start3A_101 = arith.constant 0 : i32
        %dma_start3A_102 = tpu.memref_slice %arg9[%dma_start3A_101, %mul3A_19] : memref<13x64xf32, #tpu.memory_space<vmem_shared>> -> memref<13x16xf32, #tpu.memory_space<vmem_shared>>
        tpu.enqueue_dma source(%dma_start3A_102 : memref<13x16xf32, #tpu.memory_space<vmem_shared>>) target(%arg8 : memref<13x16xf32, #tpu.memory_space<vmem>>) target_semaphore(%run_scoped3A : memref<!tpu.dma_semaphore, #tpu.memory_space<semaphore_mem>>)
        %dma_wait3A = arith.constant 0 : i32
        %dma_wait3A_103 = tpu.memref_slice %arg9[%dma_wait3A, %mul3A_19] : memref<13x64xf32, #tpu.memory_space<vmem_shared>> -> memref<13x16xf32, #tpu.memory_space<vmem_shared>>
        %dma_wait3A_104 = arith.constant 0 : i32
        %dma_wait3A_105 = tpu.memref_slice %arg9[%dma_wait3A_104, %mul3A_19] : memref<13x64xf32, #tpu.memory_space<vmem_shared>> -> memref<13x16xf32, #tpu.memory_space<vmem_shared>>
        tpu.wait_dma2 semaphore(%run_scoped3A : memref<!tpu.dma_semaphore, #tpu.memory_space<semaphore_mem>>) src(%dma_wait3A_105 : memref<13x16xf32, #tpu.memory_space<vmem_shared>>) dst(%arg8 : memref<13x16xf32, #tpu.memory_space<vmem>>)
        tpu.yield
      }) : () -> ()
      %get3A = arith.constant 0 : i32
      %get3A_20 = arith.index_cast %get3A : i32 to index
      %get3A_21 = arith.constant 0 : index
      %get3A_22 = tpu.vector_load %arg8[%get3A_20, %get3A_21] {strides = array<i32>} : memref<13x16xf32, #tpu.memory_space<vmem>>, vector<1x16xf32>,
      %get3A_23 = vector.shape_cast %get3A_22 : vector<1x16xf32> to vector<16xf32>
      %get3A_24 = arith.constant 1 : i32
      %get3A_25 = arith.index_cast %get3A_24 : i32 to index
      %get3A_26 = arith.constant 0 : index
      %get3A_27 = tpu.vector_load %arg8[%get3A_25, %get3A_26] {strides = array<i32>} : memref<13x16xf32, #tpu.memory_space<vmem>>, vector<1x16xf32>,
      %get3A_28 = vector.shape_cast %get3A_27 : vector<1x16xf32> to vector<16xf32>
      %add3A = arith.addf %get3A_23, %get3A_28 : vector<16xf32>
      %get3A_29 = arith.constant 2 : i32
      %get3A_30 = arith.index_cast %get3A_29 : i32 to index
      %get3A_31 = arith.constant 0 : index
      %get3A_32 = tpu.vector_load %arg8[%get3A_30, %get3A_31] {strides = array<i32>} : memref<13x16xf32, #tpu.memory_space<vmem>>, vector<1x16xf32>,
      %get3A_33 = vector.shape_cast %get3A_32 : vector<1x16xf32> to vector<16xf32>
      %add3A_34 = arith.addf %add3A, %get3A_33 : vector<16xf32>
      %get3A_35 = arith.constant 3 : i32
      %get3A_36 = arith.index_cast %get3A_35 : i32 to index
      %get3A_37 = arith.constant 0 : index
      %get3A_38 = tpu.vector_load %arg8[%get3A_36, %get3A_37] {strides = array<i32>} : memref<13x16xf32, #tpu.memory_space<vmem>>, vector<1x16xf32>,
      %get3A_39 = vector.shape_cast %get3A_38 : vector<1x16xf32> to vector<16xf32>
      %add3A_40 = arith.addf %add3A_34, %get3A_39 : vector<16xf32>
      %get3A_41 = arith.constant 4 : i32
      %get3A_42 = arith.index_cast %get3A_41 : i32 to index
      %get3A_43 = arith.constant 0 : index
      %get3A_44 = tpu.vector_load %arg8[%get3A_42, %get3A_43] {strides = array<i32>} : memref<13x16xf32, #tpu.memory_space<vmem>>, vector<1x16xf32>,
      %get3A_45 = vector.shape_cast %get3A_44 : vector<1x16xf32> to vector<16xf32>
      %add3A_46 = arith.addf %add3A_40, %get3A_45 : vector<16xf32>
      %get3A_47 = arith.constant 5 : i32
      %get3A_48 = arith.index_cast %get3A_47 : i32 to index
      %get3A_49 = arith.constant 0 : index
      %get3A_50 = tpu.vector_load %arg8[%get3A_48, %get3A_49] {strides = array<i32>} : memref<13x16xf32, #tpu.memory_space<vmem>>, vector<1x16xf32>,
      %get3A_51 = vector.shape_cast %get3A_50 : vector<1x16xf32> to vector<16xf32>
      %add3A_52 = arith.addf %add3A_46, %get3A_51 : vector<16xf32>
      %get3A_53 = arith.constant 6 : i32
      %get3A_54 = arith.index_cast %get3A_53 : i32 to index
      %get3A_55 = arith.constant 0 : index
      %get3A_56 = tpu.vector_load %arg8[%get3A_54, %get3A_55] {strides = array<i32>} : memref<13x16xf32, #tpu.memory_space<vmem>>, vector<1x16xf32>,
      %get3A_57 = vector.shape_cast %get3A_56 : vector<1x16xf32> to vector<16xf32>
      %add3A_58 = arith.addf %add3A_52, %get3A_57 : vector<16xf32>
      %get3A_59 = arith.constant 7 : i32
      %get3A_60 = arith.index_cast %get3A_59 : i32 to index
      %get3A_61 = arith.constant 0 : index
      %get3A_62 = tpu.vector_load %arg8[%get3A_60, %get3A_61] {strides = array<i32>} : memref<13x16xf32, #tpu.memory_space<vmem>>, vector<1x16xf32>,
      %get3A_63 = vector.shape_cast %get3A_62 : vector<1x16xf32> to vector<16xf32>
      %add3A_64 = arith.addf %add3A_58, %get3A_63 : vector<16xf32>
      %get3A_65 = arith.constant 8 : i32
      %get3A_66 = arith.index_cast %get3A_65 : i32 to index
      %get3A_67 = arith.constant 0 : index
      %get3A_68 = tpu.vector_load %arg8[%get3A_66, %get3A_67] {strides = array<i32>} : memref<13x16xf32, #tpu.memory_space<vmem>>, vector<1x16xf32>,
      %get3A_69 = vector.shape_cast %get3A_68 : vector<1x16xf32> to vector<16xf32>
      %add3A_70 = arith.addf %add3A_64, %get3A_69 : vector<16xf32>
      %get3A_71 = arith.constant 9 : i32
      %get3A_72 = arith.index_cast %get3A_71 : i32 to index
      %get3A_73 = arith.constant 0 : index
      %get3A_74 = tpu.vector_load %arg8[%get3A_72, %get3A_73] {strides = array<i32>} : memref<13x16xf32, #tpu.memory_space<vmem>>, vector<1x16xf32>,
      %get3A_75 = vector.shape_cast %get3A_74 : vector<1x16xf32> to vector<16xf32>
      %add3A_76 = arith.addf %add3A_70, %get3A_75 : vector<16xf32>
      %get3A_77 = arith.constant 10 : i32
      %get3A_78 = arith.index_cast %get3A_77 : i32 to index
      %get3A_79 = arith.constant 0 : index
      %get3A_80 = tpu.vector_load %arg8[%get3A_78, %get3A_79] {strides = array<i32>} : memref<13x16xf32, #tpu.memory_space<vmem>>, vector<1x16xf32>,
      %get3A_81 = vector.shape_cast %get3A_80 : vector<1x16xf32> to vector<16xf32>
      %add3A_82 = arith.addf %add3A_76, %get3A_81 : vector<16xf32>
      %get3A_83 = arith.constant 11 : i32
      %get3A_84 = arith.index_cast %get3A_83 : i32 to index
      %get3A_85 = arith.constant 0 : index
      %get3A_86 = tpu.vector_load %arg8[%get3A_84, %get3A_85] {strides = array<i32>} : memref<13x16xf32, #tpu.memory_space<vmem>>, vector<1x16xf32>,
      %get3A_87 = vector.shape_cast %get3A_86 : vector<1x16xf32> to vector<16xf32>
      %add3A_88 = arith.addf %add3A_82, %get3A_87 : vector<16xf32>
      %get3A_89 = arith.constant 12 : i32
      %get3A_90 = arith.index_cast %get3A_89 : i32 to index
      %get3A_91 = arith.constant 0 : index
      %get3A_92 = tpu.vector_load %arg8[%get3A_90, %get3A_91] {strides = array<i32>} : memref<13x16xf32, #tpu.memory_space<vmem>>, vector<1x16xf32>,
      %get3A_93 = vector.shape_cast %get3A_92 : vector<1x16xf32> to vector<16xf32>
      %add3A_94 = arith.addf %add3A_88, %get3A_93 : vector<16xf32>
      %swap3A = arith.constant 0 : index
      %swap3A_95 = tpu.vector_load %arg7[%swap3A] {strides = array<i32>} : memref<64xf32, #tpu.memory_space<vmem>>, vector<16xf32>,
      %swap3A_96 = vector.shape_cast %swap3A_95 : vector<16xf32> to vector<16xf32>
      %swap3A_97 = vector.shape_cast %add3A_94 : vector<16xf32> to vector<16xf32>
      tpu.vector_store %arg7[%swap3A], %swap3A_97 {strides = array<i32>} : memref<64xf32, #tpu.memory_space<vmem>>, vector<16xf32>,
      %mul3A_98 = arith.constant 16 : i32
      %mul3A_99 = arith.muli %arg1, %mul3A_98 : i32
      "tpu.region"() ({
        %run_scoped3A = tpu.sem_alloc : memref<!tpu.dma_semaphore, #tpu.memory_space<semaphore_mem>>
        %dma_start3A = arith.constant 0 : i32
        %dma_start3A_100 = tpu.memref_slice %arg7[%dma_start3A] : memref<64xf32, #tpu.memory_space<vmem>> -> memref<16xf32, #tpu.memory_space<vmem>>
        %dma_start3A_101 = tpu.memref_slice %arg4[%mul3A_99] : memref<64xf32, #tpu.memory_space<hbm>> -> memref<16xf32, #tpu.memory_space<hbm>>
        %dma_start3A_102 = tpu.memref_slice %arg4[%mul3A_99] : memref<64xf32, #tpu.memory_space<hbm>> -> memref<16xf32, #tpu.memory_space<hbm>>
        %dma_start3A_103 = arith.constant 0 : i32
        %dma_start3A_104 = tpu.memref_slice %arg7[%dma_start3A_103] : memref<64xf32, #tpu.memory_space<vmem>> -> memref<16xf32, #tpu.memory_space<vmem>>
        tpu.enqueue_dma source(%dma_start3A_104 : memref<16xf32, #tpu.memory_space<vmem>>) target(%dma_start3A_102 : memref<16xf32, #tpu.memory_space<hbm>>) target_semaphore(%run_scoped3A : memref<!tpu.dma_semaphore, #tpu.memory_space<semaphore_mem>>)
        %dma_wait3A = arith.constant 0 : i32
        %dma_wait3A_105 = tpu.memref_slice %arg7[%dma_wait3A] : memref<64xf32, #tpu.memory_space<vmem>> -> memref<16xf32, #tpu.memory_space<vmem>>
        %dma_wait3A_106 = tpu.memref_slice %arg4[%mul3A_99] : memref<64xf32, #tpu.memory_space<hbm>> -> memref<16xf32, #tpu.memory_space<hbm>>
        %dma_wait3A_107 = tpu.memref_slice %arg4[%mul3A_99] : memref<64xf32, #tpu.memory_space<hbm>> -> memref<16xf32, #tpu.memory_space<hbm>>
        %dma_wait3A_108 = arith.constant 0 : i32
        %dma_wait3A_109 = tpu.memref_slice %arg7[%dma_wait3A_108] : memref<64xf32, #tpu.memory_space<vmem>> -> memref<16xf32, #tpu.memory_space<vmem>>
        tpu.wait_dma2 semaphore(%run_scoped3A : memref<!tpu.dma_semaphore, #tpu.memory_space<semaphore_mem>>) src(%dma_wait3A_109 : memref<16xf32, #tpu.memory_space<vmem>>) dst(%dma_wait3A_107 : memref<16xf32, #tpu.memory_space<hbm>>)
        tpu.yield
      }) : () -> ()
    } else {
    }
    return
  }
}

</mosaic_0001>

<sc_bundles>
// kernel: _emb_sum.3.cloned.1.call-start
scs
__scs_entry_jumppad:
0x0: {  	(pc) =	sbr.rel $0x88, $3  }
0x1: {  	(tag) =	ssettag $0x0;
	lr =	simm.s32 $0x1  }
0x2: {  	[smem:$0x3F9F] =	sst lr;
	_ =	strace $0xD0000000  }
0x3: {  	_ = 	snop  }
0x4: {  	_ = 	snop  }
0x5: {  	_ = 	snop  }
0x6: {  	_ = 	snop  }
0x7: {  	_ = 	snop  }
__scs_overlays_trampoline_lowered:
0x8: {  	[smem:$0x3FAE] =	sst s0  }
0x9: {  	[smem:$0x3FAF] =	sst s1  }
0xa: {  	[smem:$0x3FB0] =	sst s2  }
0xb: {  	[smem:$0x3FB1] =	sst s3  }
0xc: {  	[smem:$0x3FB2] =	sst s4  }
0xd: {  	[smem:$0x3FB3] =	sst s5  }
0xe: {  	[smem:$0x3FB4] =	sst s6  }
0xf: {  	[smem:$0x3FB5] =	sst s7  }
0x10: {  	[smem:$0x3FB6] =	sst s8  }
0x11: {  	[smem:$0x3FB7] =	sst s9;
	s0 =	simm.s32 @!p0 $0x0  }
0x12: {  	s1 =	sld [smem:$0x3F9D];
	s0 =	simm.s32 @p0 $0x1  }
0x13: {  	[smem:$0x3FB8] =	sst s0;
	s0 =	simm.s32 @!p1 $0x0  }
0x14: {  	s2 =	sld [smem:$0x3F9C];
	s0 =	simm.s32 @p1 $0x1  }
0x15: {  	[smem:$0x3FB9] =	sst s0;
	s0 =	simm.s32 @!p2 $0x0  }
0x16: {  	s3 =	sld [smem:$0x3FDB];
	s0 =	simm.s32 @p2 $0x1  }
0x17: {  	s4 =	simm.s32 $0x1BF5;
	[smem:$0x3FBB] =	sst s0  }
0x18: {  	s0 =	sld [smem:$0x3F9E];
	_ =	swait.ge [sflag:s4], $0x0  }
0x19: {  	s7 =	sld [smem:$0x3F9F]  }
0x1a: {  	s8 =	sadd.s32 $0xFFFFE003, lr  }
0x1b: {  	s9 =	sadd.s32 $0xFFFFFEF7, lr;
	s5 =	simm.s32 $0xFFFFFFFF;
	p2 =	slt.u32 s8, $0xFFFFF086  }
0x1c: {  	p1 =	slt.u32 s9, $0xF7A;
	s5 =	simm.s32 @!p2 $0x0  }
0x1d: {  	s5 =	simm.s32 @p1 $0x1;
	p0 =	seq.s32 s7, s2  }
0x1e: {  	s7 =	smul.u32 @!p0 $0xF7A, s2;
	p2 =	seq.s32 @!p0 s5, $0x0  }
0x1f: {  	s9 =	smul.u32 $0xF7A, s1;
	s8 =	simm.s32 @!p0 $0x1BF5;
	p2 =	por !p2, p0  }
0x20: {  	[sflag:s8] =	ssyncset.s32 @!p0 $0xFFFFF086;
	s6 =	sadd.s32 @!p0 s3, s7;
	s7 =	simm.s32 @!p0 $0x108  }
0x21: {  	s3 =	sadd.s32 s3, s9;
	s6 =	sadd.s32 @!p0 $0x88, s6;
	s7 =	simm.s32 @p2 $0x1082  }
0x22: {  	[simem:s7], [sflag:s8] =	dma.local @!p0 [hbm:s6], $0xF7A  }
0x23: {  	s9 =	sor.u32 $0xD0000000, s2;
	s6 =	simm.s32 $0x108;
	_ =	swait.ge @!p0 [sflag:s8], $0x0  }
0x24: {  	s3 =	sadd.s32 $0x88, s3;
	s6 =	simm.s32 @!p1 $0x1082;
	[sflag:s4] =	ssyncset.s32 $0xFFFFF086  }
0x25: {  	[simem:s6], [sflag:s4] =	dma.local [hbm:s3], $0xF7A  }
0x26: {  	[smem:$0x3F9F] =	sst s1;
	(tag) =	ssettag s2;
	_ =	strace s9  }
0x27: {  	s1 =	sld [smem:$0x3FAF]  }
0x28: {  	s2 =	sld [smem:$0x3FB0]  }
0x29: {  	s4 =	sld [smem:$0x3FB2]  }
0x2a: {  	p0 =	seq.s32 s5, $0x0;
	s5 =	sld [smem:$0x3FB3]  }
0x2b: {  	s6 =	sld [smem:$0x3FB4]  }
0x2c: {  	s7 =	sld [smem:$0x3FB5]  }
0x2d: {  	s3 =	simm.s32 $0x108;
	s8 =	sld [smem:$0x3FB6]  }
0x2e: {  	s3 =	simm.s32 @!p0 $0x1082;
	s9 =	sld [smem:$0x3FB7]  }
0x2f: {  	lr =	sadd.s32 s0, s3;
	s0 =	sld [smem:$0x3FAE]  }
0x30: {  	s3 =	sld [smem:$0x3FB1]  }
0x31: {  	[smem:$0x3FBA] =	sst s10  }
0x32: {  	s10 =	sld [smem:$0x3FB8];
	_ =	sdelay $0x3  }
0x33: {  	p0 =	seq.s32 s10, $0x1;
	s10 =	sld [smem:$0x3FBA];
	_ =	sdelay $0x3  }
0x34: {  	[smem:$0x3FBA] =	sst s10  }
0x35: {  	s10 =	sld [smem:$0x3FB9];
	_ =	sdelay $0x3  }
0x36: {  	p1 =	seq.s32 s10, $0x1;
	s10 =	sld [smem:$0x3FBA];
	_ =	sdelay $0x3  }
0x37: {  	[smem:$0x3FBA] =	sst s10  }
0x38: {  	s10 =	sld [smem:$0x3FBB]  }
0x39: {  	_ = 	snop;
	(pc) =	sbr.ind lr, $3  }
0x3a: {  	_ = 	snop  }
0x3b: {  	_ = 	snop  }
0x3c: {  	p2 =	seq.s32 s10, $0x1;
	s10 =	sld [smem:$0x3FBA]  }
0x3d: {  	_ =	shalt  }
0x3e: {  	_ =	shalt  }
0x3f: {  	_ =	shalt  }
0x40: {  	_ =	shalt  }
0x41: {  	_ =	shalt  }
0x42: {  	_ =	shalt  }
0x43: {  	_ =	shalt  }
0x44: {  	_ =	shalt  }
0x45: {  	_ =	shalt  }
0x46: {  	_ =	shalt  }
0x47: {  	_ =	shalt  }
0x48: {  	_ =	shalt  }
0x49: {  	_ =	shalt  }
0x4a: {  	_ =	shalt  }
0x4b: {  	_ =	shalt  }
0x4c: {  	_ =	shalt  }
0x4d: {  	_ =	shalt  }
0x4e: {  	_ =	shalt  }
0x4f: {  	_ =	shalt  }
0x50: {  	_ =	shalt  }
0x51: {  	_ =	shalt  }
0x52: {  	_ =	shalt  }
0x53: {  	_ =	shalt  }
0x54: {  	_ =	shalt  }
0x55: {  	_ =	shalt  }
0x56: {  	_ =	shalt  }
0x57: {  	_ =	shalt  }
0x58: {  	_ =	shalt  }
0x59: {  	_ =	shalt  }
0x5a: {  	_ =	shalt  }
0x5b: {  	_ =	shalt  }
0x5c: {  	_ =	shalt  }
0x5d: {  	_ =	shalt  }
0x5e: {  	_ =	shalt  }
0x5f: {  	_ =	shalt  }
0x60: {  	_ =	shalt  }
0x61: {  	_ =	shalt  }
0x62: {  	_ =	shalt  }
0x63: {  	_ =	shalt  }
0x64: {  	_ =	shalt  }
0x65: {  	_ =	shalt  }
0x66: {  	_ =	shalt  }
0x67: {  	_ =	shalt  }
0x68: {  	_ =	shalt  }
0x69: {  	_ =	shalt  }
0x6a: {  	_ =	shalt  }
0x6b: {  	_ =	shalt  }
0x6c: {  	_ =	shalt  }
0x6d: {  	_ =	shalt  }
0x6e: {  	_ =	shalt  }
0x6f: {  	_ =	shalt  }
0x70: {  	_ =	shalt  }
0x71: {  	_ =	shalt  }
0x72: {  	_ =	shalt  }
0x73: {  	_ =	shalt  }
0x74: {  	_ =	shalt  }
0x75: {  	_ =	shalt  }
0x76: {  	_ =	shalt  }
0x77: {  	_ =	shalt  }
0x78: {  	_ =	shalt  }
0x79: {  	_ =	shalt  }
0x7a: {  	_ =	shalt  }
0x7b: {  	_ =	shalt  }
0x7c: {  	_ =	shalt  }
0x7d: {  	_ =	shalt  }
0x7e: {  	_ =	shalt  }
0x7f: {  	_ =	shalt  }
0x80: {  	_ =	shalt  }
0x81: {  	_ =	shalt  }
0x82: {  	_ =	shalt  }
0x83: {  	_ =	shalt  }
0x84: {  	_ =	shalt  }
0x85: {  	_ =	shalt  }
0x86: {  	_ =	shalt  }
0x87: {  	_ =	shalt  }
.Lfunc_end0:
.L_simem_size_0:
called_computation_lowered:
.L_overlay_start_0:
0x88: {  	s0 =	sld [smem:$0x3FD9]  }
0x89: {  	s1 =	sld [smem:$0x3FFE];
	_ =	sdelay $0x3  }
0x8a: {  	s0 =	sadd.s32 s1, s0  }
0x8b: {  	[smem:$0x3FC6] =	sst s0  }
0x8c: {  	_ = 	snop  }
0x8d: {  	s0 =	sld [smem:$0x3FC9]  }
0x8e: {  	s16 =	sld [smem:$0x3FD0];
	(tm) =	ssettm $0x1  }
0x8f: {  	s2 =	sld [smem:$0x3FFB];
	_ =	sdelay $0x3  }
0x90: {  	_ =	strace s2  }
0x91: {  	s2 =	sld [smem:$0x3FFC];
	_ =	sdelay $0x3  }
0x92: {  	_ =	strace s2  }
0x93: {  	s2 =	sld [smem:$0x3FFD];
	_ =	sdelay $0x3  }
0x94: {  	_ =	strace s2  }
0x95: {  	_ =	strace $0x8FFFFFFF  }
0x96: {  	s17 =	sld [smem:$0x3FDB];
	_ =	sdelay $0x1  }
0x97: {  	s3 =	simm.s32 $_scs_section_size  }
0x98: {  	s4 =	simm.s32 $_size__tile_overlayer_lowered;
	s5 =	simm.s32 $_tile_overlayer_lowered  }
0x99: {  	s20 =	simm.s32 $0x1BFF;
	s19 =	sshll.u32 s5, $0x1;
	s2 =	sadd.s32 s3, s17  }
0x9a: {  	s6 =	simm.s32 $0x0;
	s18 =	sshll.u32 s4, $0x1;
	s4 =	sadd.s32 s19, s2  }
0x9b: {  	[timem:s6], [sflag:s20] =	dma.local [hbm:s4], s18  }
0x9c: {  	_ =	swait.ge [sflag:s20], s18  }
0x9d: {  	s3 =	ssub.s32 $0x0, s18;
	[sflag:s20] =	ssyncset.done $0x0  }
0x9e: {  	[sflag:s20] =	ssyncadd.s32 s3;
	_ =	sdelay $0x1  }
0x9f: {  	s21 =	simm.s32 $0x1B8B  }
0xa0: {  	_ =	swait.ge [sflag:s21], $0x1  }
0xa1: {  	[sflag:s21] =	ssyncset.done $0x0  }
0xa2: {  	s23 =	simm.s32 $0x1B8E;
	s22 =	sld [smem:$0x3FFE];
	[sflag:s21] =	ssyncadd.s32 $0xFFFFFFFF  }
0xa3: {  	s24 =	simm.s32 $execute0_lowered;
	[smem:$0x3FD2] =	sst s23  }
0xa4: {  	s4 =	sshll.u32 s24, $0x1;
	_ =	strace $0x80000046;
	[dreg:$0x1] =	wrdreg $0xFFFFFFFF  }
0xa5: {  	s25 =	simm.s32 $_size_execute0_lowered;
	s2 =	sadd.s32 s2, s4;
	[dreg:$0x0] =	wrdreg $0x0  }
0xa6: {  	s4 =	sshll.u32 s25, $0x1;
	[dreg:$0x2] =	wrdreg s2  }
0xa7: {  	[dreg:$0x3] =	wrdreg s4  }
0xa8: {  	[dreg:$0x4] =	wrdreg $0xC0  }
0xa9: {  	_ =	task [dreg:s6], $0x5FFFF  }
0xaa: {  	[dreg:$0x1] =	wrdreg $0xFFFFFFFF  }
0xab: {  	[dreg:$0x0] =	wrdreg $0x60  }
0xac: {  	[dreg:$0x2] =	wrdreg s0  }
0xad: {  	[dreg:$0x3] =	wrdreg s22  }
0xae: {  	[dreg:$0x4] =	wrdreg s16  }
0xaf: {  	[dreg:$0x5] =	wrdreg $0x5200  }
0xb0: {  	[dreg:$0x6] =	wrdreg $0x9  }
0xb1: {  	_ =	task.clear_ibuf [dreg:s6], $0x7FFFF;
	_ =	strace $0x90000046  }
0xb2: {  	s26 =	simm.s32 $0x9;
	_ =	strace $0x80000048  }
0xb3: {  	_ =	swait.ge [sflag:s26], $0x1  }
0xb4: {  	[sflag:s26] =	ssyncadd.s32 $0xFFFFFFFF  }
0xb5: {  	_ =	strace $0x90000048  }
0xb6: {  	_ =	sfence  }
0xb7: {  	s28 =	sld [smem:$0x0];
	_ =	sdelay $0x1  }
0xb8: {  	s29 =	srdreg.scid  }
0xb9: {  	s30 =	sshll.u32 s29, $0xD;
	s31 =	sshrl.u32 s29, $0x2  }
0xba: {  	s1 =	sand.u32 $0x1, s29;
	s2 =	sand.u32 $0x4000, s30;
	s0 =	sadd.s32 s31, s28  }
0xbb: {  	s1 =	sor.u32 s2, s1;
	s0 =	sshll.u32 s0, $0x11  }
0xbc: {  	s0 =	sor.u32 s0, s1  }
0xbd: {  	s0 =	sadd.s32 $0x8F2B, s0  }
0xbe: {  	[sflag:s0] =	ssyncadd.remote.s32 $0x1  }
0xbf: {  	_ =	sfence.sel $0xFFFF  }
0xc0: {  	[dreg:$0x0] =	wrdreg $0xFFFFFFFF;
	(pc) =	sbr.abs _section_cstart, $3  }
0xc1: {  	[dreg:$0x1] =	wrdreg $0xFFFFFFFF  }
0xc2: {  	_ =	task.clear_ibuf [dreg:s6], $0x2FFFF;
	_ =	strace $0x9FFFFFFF  }
0xc3: {  	(tm) =	ssettm $0x7FFFFFFF  }
tec
execute0_lowered:
.L_overlay_start_1:
0x0: {  	(tag) =	ssettag $0x1  }
0x1: {  	s1 =	stileid.u32  }
0x2: {  	s5 =	rddreg [dreg:$0x0];
	p0 =	slt.u32 s1, $0xC  }
.Ltmp0:
0x3: {  	s4 =	rddreg [dreg:$0x1];
	(pc) =	sbr.rel @!p0 .LBB2_1-.Ltmp0, $4  }
0x4: {  	s3 =	rddreg [dreg:$0x2]  }
0x5: {  	s2 =	rddreg [dreg:$0x3];
	s7 =	simm.s32 $0x0  }
0x6: {  	[smem:$0x7FF] =	sst s7  }
0x7: {  	s0 =	rddreg [dreg:$0x4];
	s6 =	sadd.s32 $0x400, s4;
	_ =	strace $0x80000047  }
0x8: {  	s4 =	sshll.u32 s1, $0x1  }
0x9: {  	s24 =	simm.s32 $0x3;
	s8 =	sadd.s32 s5, s4  }
0xa: {  	[tilespmem:s7], [sflag:$0x3] =	stream.linear.gather [hbm4b:s8+s7], $0x8, $0x38;
	[tilespmem:$0x558] =	vst v63  }
0xb: {  	_ =	swait.ge [sflag:s24], $0x8  }
0xc: {  	[sflag:s24] =	ssyncset.done $0x0  }
0xd: {  	s9 =	simm.s32 $0x8;
	s10 =	simm.s32 $0x10;
	[sflag:s24] =	ssyncadd.s32 $0xFFFFFFF8  }
0xe: {  	[tilespmem:s10], [sflag:$0x1] =	stream.indirect.gather [hbm4b:s6+s9], $0x40, s7, s9, $0xb8;
	[tilespmem:$0x558] =	vst v63  }
0xf: {  	s8 =	sadd.s32 $0x1, s8  }
0x10: {  	[tilespmem:s9], [sflag:$0x3] =	stream.linear.gather [hbm4b:s8+s7], $0x8, $0x38;
	[tilespmem:$0x558] =	vst v63  }
0x11: {  	_ =	swait.ge [sflag:s24], $0x8  }
0x12: {  	[sflag:s24] =	ssyncset.done $0x0  }
0x13: {  	s25 =	simm.s32 $0x210;
	s26 =	simm.s32 $0x1;
	[sflag:s24] =	ssyncadd.s32 $0xFFFFFFF8  }
0x14: {  	[tilespmem:s25], [sflag:$0x2] =	stream.indirect.gather [hbm4b:s6+s9], $0x40, s9, s9, $0xb8;
	[tilespmem:$0x558] =	vst v63  }
0x15: {  	_ =	swait.ge [sflag:s26], $0x200  }
0x16: {  	[sflag:s26] =	ssyncset.done $0x0  }
0x17: {  	[sflag:s26] =	ssyncadd.s32 $0xFFFFFE00  }
0x18: {  	v0 =	vld [tilespmem:$0x10]  }
0x19: {  	v1 =	vld [tilespmem:$0x50]  }
0x1a: {  	v2 =	vld [tilespmem:$0x90]  }
0x1b: {  	v3 =	vld [tilespmem:$0xD0]  }
0x1c: {  	v4 =	vld [tilespmem:$0x110]  }
0x1d: {  	v5 =	vld [tilespmem:$0x150]  }
0x1e: {  	v6 =	vld [tilespmem:$0x190]  }
0x1f: {  	v7 =	vld [tilespmem:$0x1D0]  }
0x20: {  	v8 =	vld [tilespmem:$0x20]  }
0x21: {  	v9 =	vld [tilespmem:$0x60]  }
0x22: {  	v10 =	vld [tilespmem:$0xA0]  }
0x23: {  	v11 =	vld [tilespmem:$0xE0]  }
0x24: {  	v12 =	vld [tilespmem:$0x120]  }
0x25: {  	v13 =	vld [tilespmem:$0x160]  }
0x26: {  	v14 =	vld [tilespmem:$0x1A0]  }
0x27: {  	v15 =	vld [tilespmem:$0x1E0]  }
0x28: {  	v16 =	vld [tilespmem:$0x30]  }
0x29: {  	v17 =	vld [tilespmem:$0x70]  }
0x2a: {  	v18 =	vld [tilespmem:$0xB0]  }
0x2b: {  	v19 =	vld [tilespmem:$0xF0]  }
0x2c: {  	v20 =	vld [tilespmem:$0x130]  }
0x2d: {  	v21 =	vld [tilespmem:$0x170]  }
0x2e: {  	v22 =	vld [tilespmem:$0x1B0]  }
0x2f: {  	v23 =	vld [tilespmem:$0x1F0]  }
0x30: {  	v24 =	vld [tilespmem:$0x40]  }
0x31: {  	v25 =	vld [tilespmem:$0x80]  }
0x32: {  	v26 =	vld [tilespmem:$0xC0]  }
0x33: {  	v27 =	vld [tilespmem:$0x100]  }
0x34: {  	v28 =	vld [tilespmem:$0x140]  }
0x35: {  	v29 =	vld [tilespmem:$0x180]  }
0x36: {  	s28 =	simm.s32 $0x2;
	v30 =	vld [tilespmem:$0x1C0]  }
0x37: {  	v31 =	vld [tilespmem:$0x200];
	_ =	swait.ge [sflag:s28], $0x200  }
0x38: {  	[sflag:s28] =	ssyncset.done $0x0  }
0x39: {  	[sflag:s28] =	ssyncadd.s32 $0xFFFFFE00  }
0x3a: {  	v32 =	vld [tilespmem:$0x210]  }
0x3b: {  	v33 =	vld [tilespmem:$0x250]  }
0x3c: {  	v34 =	vld [tilespmem:$0x290]  }
0x3d: {  	v35 =	vld [tilespmem:$0x2D0]  }
0x3e: {  	v36 =	vld [tilespmem:$0x310]  }
0x3f: {  	v60 =	vld [tilespmem:$0x350];
	v0 =	vadd.f32 v1, v0  }
0x40: {  	v61 =	vld [tilespmem:$0x390];
	v8 =	vadd.f32 v9, v8  }
0x41: {  	v63 =	vld [tilespmem:$0x3D0];
	v62 =	vadd.f32 v17, v16;
	v0 =	vadd.f32 v2, v0  }
0x42: {  	v37 =	vld [tilespmem:$0x260];
	v24 =	vadd.f32 v25, v24;
	v8 =	vadd.f32 v10, v8  }
0x43: {  	v38 =	vld [tilespmem:$0x2A0];
	v2 =	vadd.f32 v18, v62;
	v0 =	vadd.f32 v3, v0  }
0x44: {  	v39 =	vld [tilespmem:$0x2E0];
	v10 =	vadd.f32 v26, v24;
	v8 =	vadd.f32 v11, v8  }
0x45: {  	v40 =	vld [tilespmem:$0x320];
	v2 =	vadd.f32 v19, v2;
	v0 =	vadd.f32 v4, v0  }
0x46: {  	v41 =	vld [tilespmem:$0x360];
	v10 =	vadd.f32 v27, v10;
	v8 =	vadd.f32 v12, v8  }
0x47: {  	v42 =	vld [tilespmem:$0x3A0];
	v2 =	vadd.f32 v20, v2;
	v0 =	vadd.f32 v5, v0  }
0x48: {  	v43 =	vld [tilespmem:$0x3E0];
	v10 =	vadd.f32 v28, v10;
	v8 =	vadd.f32 v13, v8  }
0x49: {  	v25 =	vld [tilespmem:$0x220];
	v2 =	vadd.f32 v21, v2;
	v0 =	vadd.f32 v6, v0  }
0x4a: {  	v44 =	vld [tilespmem:$0x230];
	v10 =	vadd.f32 v29, v10;
	v8 =	vadd.f32 v14, v8  }
0x4b: {  	v45 =	vld [tilespmem:$0x240];
	v2 =	vadd.f32 v22, v2;
	v0 =	vadd.f32 v7, v0  }
0x4c: {  	v46 =	vld [tilespmem:$0x270];
	v10 =	vadd.f32 v30, v10;
	v8 =	vadd.f32 v15, v8  }
0x4d: {  	v47 =	vld [tilespmem:$0x280];
	v2 =	vadd.f32 v23, v2;
	v0 =	vadd.f32 v32, v0  }
0x4e: {  	v48 =	vld [tilespmem:$0x2B0];
	v10 =	vadd.f32 v31, v10;
	v8 =	vadd.f32 v25, v8  }
0x4f: {  	v49 =	vld [tilespmem:$0x2C0];
	v2 =	vadd.f32 v44, v2;
	v0 =	vadd.f32 v33, v0  }
0x50: {  	v50 =	vld [tilespmem:$0x2F0];
	v7 =	vadd.f32 v45, v10;
	v3 =	vadd.f32 v37, v8  }
0x51: {  	v51 =	vld [tilespmem:$0x300];
	v2 =	vadd.f32 v46, v2;
	v0 =	vadd.f32 v34, v0  }
0x52: {  	v52 =	vld [tilespmem:$0x330];
	v7 =	vadd.f32 v47, v7;
	v3 =	vadd.f32 v38, v3  }
0x53: {  	v53 =	vld [tilespmem:$0x340];
	v2 =	vadd.f32 v48, v2;
	v0 =	vadd.f32 v35, v0  }
0x54: {  	v55 =	vld [tilespmem:$0x370];
	v54 =	vadd.f32 v49, v7;
	v3 =	vadd.f32 v39, v3  }
0x55: {  	v56 =	vld [tilespmem:$0x380];
	v2 =	vadd.f32 v50, v2;
	v0 =	vadd.f32 v36, v0  }
0x56: {  	v57 =	vld [tilespmem:$0x3B0];
	v4 =	vadd.f32 v51, v54;
	v3 =	vadd.f32 v40, v3  }
0x57: {  	v59 =	vld [tilespmem:$0x3C0];
	v58 =	vadd.f32 v52, v2;
	v0 =	vadd.f32 v60, v0  }
0x58: {  	v4 =	vadd.f32 v53, v4;
	v3 =	vadd.f32 v41, v3;
	v60 =	vld [tilespmem:$0x3F0]  }
0x59: {  	v1 =	vadd.f32 v55, v58;
	v0 =	vadd.f32 v61, v0;
	v61 =	vld [tilespmem:$0x400]  }
0x5a: {  	v4 =	vadd.f32 v56, v4;
	v3 =	vadd.f32 v42, v3  }
0x5b: {  	v1 =	vadd.f32 v57, v1;
	v0 =	vadd.f32 v63, v0  }
0x5c: {  	v2 =	vadd.f32 v59, v4;
	v3 =	vadd.f32 v43, v3  }
0x5d: {  	v62 =	vadd.f32 v60, v1;
	[tilespmem:$0x410] =	vst v0  }
0x5e: {  	[tilespmem:$0x420] =	vst v3;
	v63 =	vadd.f32 v61, v2  }
0x5f: {  	s29 =	sshll.u32 s1, $0x6;
	[tilespmem:$0x430] =	vst v62  }
0x60: {  	s30 =	simm.s32 $0x410;
	s6 =	sadd.s32 s29, s2;
	[tilespmem:$0x440] =	vst v63  }
0x61: {  	[spmem:s6] =	stream.linear.scatter [tilespmem:s30], [sflag:$0x3], $0x40, $0x38;
	[tilespmem:$0x558] =	vst v63  }
0x62: {  	_ =	swait.ge [sflag:s24], $0x40  }
0x63: {  	s31 =	sshll.u32 s1, $0x4;
	p0 =	sgt.u32 s1, $0x3;
	[sflag:s24] =	ssyncset.done $0x0  }
0x64: {  	s5 =	simm.s32 @!p0 $0x10;
	s7 =	simm.s32 @!p0 $0x450;
	[sflag:s24] =	ssyncadd.s32 $0xFFFFFFC0  }
0x65: {  	s2 =	sadd.s32 s31, s2;
	s6 =	simm.s32 @!p0 $0x40;
	[bflag:$0x0] =	sbarrier.arrive $0xFFFF  }
0x66: {  	[tilespmem:s7], [sflag:$0x3] =	stream.strided.gather @!p0 [spmem:s2], $0xD0, s6, s5, $0x38;
	[tilespmem:$0x558] =	vst v63  }
0x67: {  	s2 =	simm.s32 @!p0 $0x3  }
0x68: {  	_ =	swait.ge @!p0 [sflag:s2], $0xD0  }
0x69: {  	[sflag:s2] =	ssyncset.done @!p0 $0x0  }
0x6a: {  	[sflag:s2] =	ssyncadd.s32 @!p0 $0xFFFFFF30  }
0x6b: {  	v0 =	vld @!p0 [tilespmem:$0x450]  }
0x6c: {  	v1 =	vld @!p0 [tilespmem:$0x460];
	_ =	sdelay $0x1  }
0x6d: {  	v2 =	vld @!p0 [tilespmem:$0x470];
	_ =	sdelay $0x1  }
0x6e: {  	v3 =	vld @!p0 [tilespmem:$0x480]  }
0x6f: {  	v0 =	vadd.f32 @!p0 v1, v0  }
0x70: {  	v1 =	vld @!p0 [tilespmem:$0x490]  }
0x71: {  	v0 =	vadd.f32 @!p0 v2, v0  }
0x72: {  	v2 =	vld @!p0 [tilespmem:$0x4A0]  }
0x73: {  	v0 =	vadd.f32 @!p0 v3, v0  }
0x74: {  	v3 =	vld @!p0 [tilespmem:$0x4B0]  }
0x75: {  	v0 =	vadd.f32 @!p0 v1, v0  }
0x76: {  	v1 =	vld @!p0 [tilespmem:$0x4C0]  }
0x77: {  	v0 =	vadd.f32 @!p0 v2, v0  }
0x78: {  	v2 =	vld @!p0 [tilespmem:$0x4D0]  }
0x79: {  	v0 =	vadd.f32 @!p0 v3, v0  }
0x7a: {  	v3 =	vld @!p0 [tilespmem:$0x4E0]  }
0x7b: {  	v0 =	vadd.f32 @!p0 v1, v0  }
0x7c: {  	v1 =	vld @!p0 [tilespmem:$0x4F0]  }
0x7d: {  	v0 =	vadd.f32 @!p0 v2, v0  }
0x7e: {  	v2 =	vld @!p0 [tilespmem:$0x500]  }
0x7f: {  	v0 =	vadd.f32 @!p0 v3, v0  }
0x80: {  	v3 =	vld @!p0 [tilespmem:$0x510]  }
0x81: {  	v0 =	vadd.f32 @!p0 v1, v0;
	_ =	sdelay $0x1  }
0x82: {  	v0 =	vadd.f32 @!p0 v2, v0;
	_ =	sdelay $0x1  }
0x83: {  	v0 =	vadd.f32 @!p0 v3, v0  }
0x84: {  	s3 =	sadd.s32 s3, s4  }
.Ltmp1:
0x85: {  	s4 =	simm.s32 @!p0 $0x0;
	s5 =	simm.s32 @!p0 $0x410;
	[tilespmem:$0x410] =	vst @!p0 v0;
	(pc) =	sbr.rel .LBB2_5-.Ltmp1, $4  }
0x86: {  	[hbm4b:s3+s4] =	stream.linear.scatter @!p0 [tilespmem:s5], [sflag:$0x3], $0x10, $0x38;
	[tilespmem:$0x558] =	vst v63  }
0x87: {  	_ =	swait.ge @!p0 [sflag:s2], $0x10  }
0x88: {  	[sflag:s2] =	ssyncset.done @!p0 $0x0  }
0x89: {  	[sflag:s2] =	ssyncadd.s32 @!p0 $0xFFFFFFF0  }
.LBB2_1:
0x8a: {  	p0 =	sne.s32 s1, $0xC  }
.Ltmp2:
0x8b: {  	_ = 	snop;
	(pc) =	sbr.rel @p0 .LBB2_3-.Ltmp2, $1  }
0x8c: {  	_ =	sdelay $0x3  }
0x8d: {  	s3 =	sadd.s32 $0x18, s5;
	s4 =	simm.s32 $0x0;
	s28 =	simm.s32 $0x3  }
0x8e: {  	[tilespmem:s4], [sflag:$0x3] =	stream.linear.gather [hbm4b:s3+s4], $0x8, $0x38;
	[tilespmem:$0x558] =	vst v63  }
0x8f: {  	_ =	swait.ge [sflag:s28], $0x8  }
0x90: {  	s29 =	simm.s32 $0x8;
	[sflag:s28] =	ssyncset.done $0x0  }
0x91: {  	s7 =	simm.s32 $0x10;
	s30 =	simm.s32 $0x1;
	[sflag:s28] =	ssyncadd.s32 $0xFFFFFFF8  }
0x92: {  	[tilespmem:s7], [sflag:$0x1] =	stream.indirect.gather [hbm4b:s6+s29], $0x40, s4, s29, $0xb8;
	[tilespmem:$0x558] =	vst v63  }
0x93: {  	_ =	swait.ge [sflag:s30], $0x200  }
0x94: {  	[sflag:s30] =	ssyncset.done $0x0  }
0x95: {  	[sflag:s30] =	ssyncadd.s32 $0xFFFFFE00  }
0x96: {  	v0 =	vld [tilespmem:$0x10]  }
0x97: {  	v1 =	vld [tilespmem:$0x50]  }
0x98: {  	v2 =	vld [tilespmem:$0x90]  }
0x99: {  	v3 =	vld [tilespmem:$0xD0]  }
0x9a: {  	v4 =	vld [tilespmem:$0x110]  }
0x9b: {  	v5 =	vld [tilespmem:$0x150]  }
0x9c: {  	v6 =	vld [tilespmem:$0x190]  }
0x9d: {  	v7 =	vld [tilespmem:$0x1D0]  }
0x9e: {  	v8 =	vld [tilespmem:$0x20]  }
0x9f: {  	v9 =	vld [tilespmem:$0x60]  }
0xa0: {  	v10 =	vld [tilespmem:$0xA0]  }
0xa1: {  	v11 =	vld [tilespmem:$0xE0]  }
0xa2: {  	v12 =	vld [tilespmem:$0x120]  }
0xa3: {  	v13 =	vld [tilespmem:$0x160]  }
0xa4: {  	v14 =	vld [tilespmem:$0x1A0]  }
0xa5: {  	v15 =	vld [tilespmem:$0x1E0]  }
0xa6: {  	v16 =	vld [tilespmem:$0x30]  }
0xa7: {  	v17 =	vld [tilespmem:$0x70]  }
0xa8: {  	v18 =	vld [tilespmem:$0x40]  }
0xa9: {  	v19 =	vld [tilespmem:$0x80]  }
0xaa: {  	v20 =	vld [tilespmem:$0xB0]  }
0xab: {  	v49 =	vld [tilespmem:$0xC0];
	v0 =	vadd.f32 v1, v0  }
0xac: {  	v50 =	vld [tilespmem:$0xF0];
	v8 =	vadd.f32 v9, v8  }
0xad: {  	v52 =	vld [tilespmem:$0x100];
	v51 =	vadd.f32 v17, v16;
	v0 =	vadd.f32 v2, v0  }
0xae: {  	v54 =	vld [tilespmem:$0x130];
	v53 =	vadd.f32 v19, v18;
	v8 =	vadd.f32 v10, v8  }
0xaf: {  	v55 =	vld [tilespmem:$0x140];
	v2 =	vadd.f32 v20, v51;
	v0 =	vadd.f32 v3, v0  }
0xb0: {  	v56 =	vld [tilespmem:$0x170];
	v1 =	vadd.f32 v49, v53;
	v8 =	vadd.f32 v11, v8  }
0xb1: {  	v57 =	vld [tilespmem:$0x180];
	v2 =	vadd.f32 v50, v2;
	v0 =	vadd.f32 v4, v0  }
0xb2: {  	v58 =	vld [tilespmem:$0x1B0];
	v1 =	vadd.f32 v52, v1;
	v8 =	vadd.f32 v12, v8  }
0xb3: {  	v59 =	vld [tilespmem:$0x1C0];
	v2 =	vadd.f32 v54, v2;
	v0 =	vadd.f32 v5, v0  }
0xb4: {  	v60 =	vld [tilespmem:$0x1F0];
	v1 =	vadd.f32 v55, v1;
	v8 =	vadd.f32 v13, v8  }
0xb5: {  	v61 =	vld [tilespmem:$0x200];
	v2 =	vadd.f32 v56, v2;
	v0 =	vadd.f32 v6, v0  }
0xb6: {  	v1 =	vadd.f32 v57, v1;
	v8 =	vadd.f32 v14, v8  }
0xb7: {  	v2 =	vadd.f32 v58, v2;
	v0 =	vadd.f32 v7, v0  }
0xb8: {  	v1 =	vadd.f32 v59, v1;
	v62 =	vadd.f32 v15, v8  }
0xb9: {  	v63 =	vadd.f32 v60, v2;
	[tilespmem:$0x410] =	vst v0  }
0xba: {  	v1 =	vadd.f32 v61, v1;
	[tilespmem:$0x420] =	vst v62  }
0xbb: {  	[tilespmem:$0x430] =	vst v63  }
0xbc: {  	s2 =	sadd.s32 $0x300, s2;
	s31 =	simm.s32 $0x410;
	[tilespmem:$0x440] =	vst v1  }
0xbd: {  	[spmem:s2] =	stream.linear.scatter [tilespmem:s31], [sflag:$0x3], $0x40, $0x38;
	[tilespmem:$0x558] =	vst v63  }
0xbe: {  	_ =	swait.ge [sflag:s28], $0x40  }
0xbf: {  	[sflag:s28] =	ssyncset.done $0x0  }
0xc0: {  	[sflag:s28] =	ssyncadd.s32 $0xFFFFFFC0  }
.LBB2_3:
0xc1: {  	[bflag:$0x0] =	sbarrier.arrive $0xFFFF  }
.LBB2_5:
0xc2: {  	_ =	sfence.sel $0x180000  }
0xc3: {  	[bflag:$0x0] =	sbarrier.arrive $0xFFFF  }
0xc4: {  	p0 =	sne.s32 s1, $0x0;
	_ =	strace $0x90000047  }
0xc5: {  	s0 =	sadd.s32 @!p0 $0x100000, s0;
	[bflag:$0x2] =	sbarrier.arrive $0xFFFF  }
0xc6: {  	[sflag:s0] =	ssyncadd.tile.s32 @!p0 $0x1;
	_ =	shalt  }
.Lfunc_end2:
_tile_overlayer_lowered:
.L_overlay_start_2:
0xc7: {  	(tag) =	ssettag $0x2  }
0xc8: {  	s0 =	rddreg [dreg:$0x0];
	s2 =	stileid.u32  }
0xc9: {  	s1 =	rddreg [dreg:$0x1];
	p0 =	sne.s32 s2, $0x0  }
0xca: {  	s3 =	rddreg [dreg:$0x2];
	[bflag:$0x3] =	sbarrier.arrive $0xFFFF;
	s2 =	simm.s32 @!p0 $0x1C03  }
0xcb: {  	[timem:s3], [sflag:s2] =	dma.local @!p0 [hbm:s0], s1  }
0xcc: {  	s0 =	simm.s32 @!p0 $0x3  }
0xcd: {  	_ =	swait.ge @!p0 [sflag:s0], s1  }
0xce: {  	s1 =	ssub.s32 @!p0 $0x0, s1;
	[sflag:s0] =	ssyncset.done @!p0 $0x0  }
0xcf: {  	[sflag:s0] =	ssyncadd.s32 @!p0 s1  }
0xd0: {  	[bflag:$0x3] =	sbarrier.arrive $0xFFFF  }
0xd1: {  	_ =	shalt  }

</sc_bundles>
